<compile_context>
chip_gen: v7x
topology: tpu7x:2x2x1
jax: 0.10.2.dev20260603
libtpu: 0.0.44.dev20260713+nightly
codegen_flags: <defaults>
</compile_context>

<pallas_src>
import functools

import jax
import jax.numpy as jnp
from jax import lax
from jax.experimental import pallas as pl
from jax.experimental.pallas import tpu as pltpu
from jax.experimental.pallas import tpu_sc as plsc

MAXLEN = 2048
EMBED_DIM = 128
BATCH = 4

NUM_CORES = 2
NUM_SUBCORES = 16
NUM_WORKERS = NUM_CORES * NUM_SUBCORES
POS_PER_WORKER = MAXLEN // NUM_WORKERS
ROWS_PER_WORKER = BATCH * POS_PER_WORKER
NPAIR = BATCH // 2


def _emb_body(x_hbm, table_hbm, pos_hbm, out_hbm, idx_v, rows_v, pos_v,
              sem_i, sem_p, sem_c0, sem_c1, sem_out):
    c = lax.axis_index("c")
    s = lax.axis_index("s")
    w = s * NUM_CORES + c
    t0 = w * POS_PER_WORKER

    cp_pos = pltpu.async_copy(pos_hbm.at[pl.ds(t0, POS_PER_WORKER)],
                              pos_v, sem_p)

    idx_cps = [
        pltpu.async_copy(x_hbm.at[b, pl.ds(t0, POS_PER_WORKER)],
                         idx_v.at[b // 2,
                                  pl.ds((b % 2) * POS_PER_WORKER,
                                        POS_PER_WORKER)],
                         sem_i)
        for b in range(BATCH)
    ]
    sems = (sem_c0, sem_c1)
    gathers = []
    for j in range(NPAIR):
        idx_cps[2 * j].wait()
        idx_cps[2 * j + 1].wait()
        gathers.append(pltpu.async_copy(
            table_hbm.at[idx_v.at[j]],
            rows_v.at[pl.ds(j * 2 * POS_PER_WORKER, 2 * POS_PER_WORKER)],
            sems[j]))

    cp_pos.wait()
    out_cps = []
    for j in range(NPAIR):
        gathers[j].wait()
        base = j * 2 * POS_PER_WORKER

        def add_rows(r, carry, base=base):
            for k in range(EMBED_DIM // 16):
                ds16 = pl.ds(k * 16, 16)
                p = pos_v[r, ds16]
                plsc.addupdate(rows_v.at[base + r, ds16], p)
                plsc.addupdate(rows_v.at[base + POS_PER_WORKER + r, ds16],
                               p)
            return carry

        lax.fori_loop(0, POS_PER_WORKER, add_rows, 0)
        for h in range(2):
            out_cps.append(pltpu.async_copy(
                rows_v.at[pl.ds(base + h * POS_PER_WORKER,
                                POS_PER_WORKER)],
                out_hbm.at[2 * j + h, pl.ds(t0, POS_PER_WORKER)],
                sem_out))

    for cp in out_cps:
        cp.wait()


@jax.jit
def _embed(x, token_table, pos_table):
    mesh = plsc.VectorSubcoreMesh(core_axis_name="c", subcore_axis_name="s")
    run = functools.partial(
        pl.kernel,
        mesh=mesh,
        out_type=jax.ShapeDtypeStruct((BATCH, MAXLEN, EMBED_DIM),
                                      jnp.float32),
        scratch_types=[
            pltpu.VMEM((NPAIR, 2 * POS_PER_WORKER), jnp.int32),
            pltpu.VMEM((ROWS_PER_WORKER, EMBED_DIM), jnp.float32),
            pltpu.VMEM((POS_PER_WORKER, EMBED_DIM), jnp.float32),
            pltpu.SemaphoreType.DMA,
            pltpu.SemaphoreType.DMA,
            pltpu.SemaphoreType.DMA,
            pltpu.SemaphoreType.DMA,
            pltpu.SemaphoreType.DMA,
        ],
    )(_emb_body)
    return run(x, token_table, pos_table)


def kernel(x, token_table, pos_table):
    return _embed(x.astype(jnp.int32), token_table, pos_table)

# --- scband reference (transcript-rebuilt; emitter-appended) ---
"""Pipeline reference for scband-token-and-position-embedding3-47639777247296 (READ-ONLY COPY).

The authoritative reference and input builder live on the scoring server;
editing this copy changes nothing except your own understanding.
"""

import jax, jax.numpy as jnp
import numpy as np

MAXLEN = 2048
DATA_DIM = 100000
EMBED_DIM = 128

def setup_inputs(seed: int = 0) -> dict:
    key = jax.random.key(seed)
    k1, k2, k3 = jax.random.split(key, 3)
    x = jax.random.randint(k1, (4, MAXLEN), 0, DATA_DIM, dtype=jnp.int64 if jax.config.jax_enable_x64 else jnp.int32)
    token_table = jax.random.normal(k2, (DATA_DIM, EMBED_DIM), dtype=jnp.float32) * 0.05
    pos_table = jax.random.normal(k3, (MAXLEN, EMBED_DIM), dtype=jnp.float32) * 0.05
    return {"x": x, "token_table": token_table, "pos_table": pos_table}

def reference(x, token_table, pos_table):
    # positions = range(0, maxlen); pos_emb(positions); token_emb(x); sum
    positions = jnp.arange(MAXLEN)
    pos = jnp.take(pos_table, positions, axis=0)        # [maxlen, embed_dim]
    tok = jnp.take(token_table, x, axis=0)              # [B, maxlen, embed_dim]
    return tok + pos[None, :, :]

if __name__ == "__main__":
    import jax
    _d = setup_inputs()
    print(jax.jit(kernel)(*tuple(_d.values())))

</pallas_src>

<mosaic_0001>
#map = affine_map<(d0, d1) -> (0, 0)>
#map1 = affine_map<(d0, d1) -> (0, 0, 0)>
module attributes {stable_mosaic.version = 14 : i64} {
  func.func @_emb_body(%arg0: i32, %arg1: i32, %arg2: memref<4x2048xi32, #tpu.memory_space<hbm>>, %arg3: memref<100000x128xf32, #tpu.memory_space<hbm>>, %arg4: memref<2048x128xf32, #tpu.memory_space<hbm>>, %arg5: memref<4x2048x128xf32, #tpu.memory_space<hbm>>, %arg6: memref<2x128xi32, #tpu.memory_space<vmem>>, %arg7: memref<256x128xf32, #tpu.memory_space<vmem>>, %arg8: memref<64x128xf32, #tpu.memory_space<vmem>>, %arg9: memref<!tpu.dma_semaphore, #tpu.memory_space<semaphore_mem>>, %arg10: memref<!tpu.dma_semaphore, #tpu.memory_space<semaphore_mem>>, %arg11: memref<!tpu.dma_semaphore, #tpu.memory_space<semaphore_mem>>, %arg12: memref<!tpu.dma_semaphore, #tpu.memory_space<semaphore_mem>>, %arg13: memref<!tpu.dma_semaphore, #tpu.memory_space<semaphore_mem>>) attributes {dimension_semantics = [#tpu.dimension_semantics<core_parallel>, #tpu.dimension_semantics<subcore_parallel>], iteration_bounds = array<i64: 2, 16>, scalar_prefetch = 0 : i64, scratch_operands = 8 : i64, tpu.core_type = #tpu.core_type<sc_vector_subcore>, window_params = [{transform_indices = #map}, {transform_indices = #map}, {transform_indices = #map}, {transform_indices = #map1}]} {
    %mul3A = arith.constant 2 : i32
    %mul3A_0 = arith.muli %arg1, %mul3A : i32
    %add3A = arith.addi %mul3A_0, %arg0 : i32
    %mul3A_1 = arith.constant 64 : i32
    %mul3A_2 = arith.muli %add3A, %mul3A_1 : i32
    %dma_start3A = arith.constant 0 : i32
    %dma_start3A_3 = tpu.memref_slice %arg4[%mul3A_2, %dma_start3A] : memref<2048x128xf32, #tpu.memory_space<hbm>> -> memref<64x128xf32, #tpu.memory_space<hbm>>
    %dma_start3A_4 = arith.constant 0 : i32
    %dma_start3A_5 = tpu.memref_slice %arg4[%mul3A_2, %dma_start3A_4] : memref<2048x128xf32, #tpu.memory_space<hbm>> -> memref<64x128xf32, #tpu.memory_space<hbm>>
    tpu.enqueue_dma source(%dma_start3A_5 : memref<64x128xf32, #tpu.memory_space<hbm>>) target(%arg8 : memref<64x128xf32, #tpu.memory_space<vmem>>) target_semaphore(%arg10 : memref<!tpu.dma_semaphore, #tpu.memory_space<semaphore_mem>>)
    %dma_start3A_6 = arith.constant 0 : i32
    %dma_start3A_7 = arith.constant 0 : i32
    %dma_start3A_8 = arith.constant 0 : i32
    %dma_start3A_9 = tpu.memref_slice %arg6[%dma_start3A_7, %dma_start3A_8] : memref<2x128xi32, #tpu.memory_space<vmem>> -> memref<1x64xi32, #tpu.memory_space<vmem>>
    %dma_start3A_10 = tpu.memref_squeeze %dma_start3A_9 : memref<1x64xi32, #tpu.memory_space<vmem>> -> memref<64xi32, #tpu.memory_space<vmem>>
    %dma_start3A_11 = tpu.memref_slice %arg2[%dma_start3A_6, %mul3A_2] : memref<4x2048xi32, #tpu.memory_space<hbm>> -> memref<1x64xi32, #tpu.memory_space<hbm>>
    %dma_start3A_12 = tpu.memref_squeeze %dma_start3A_11 : memref<1x64xi32, #tpu.memory_space<hbm>> -> memref<64xi32, #tpu.memory_space<hbm>>
    %dma_start3A_13 = arith.constant 0 : i32
    %dma_start3A_14 = tpu.memref_slice %arg6[%dma_start3A_7, %dma_start3A_13] : memref<2x128xi32, #tpu.memory_space<vmem>> -> memref<1x64xi32, #tpu.memory_space<vmem>>
    %dma_start3A_15 = tpu.memref_squeeze %dma_start3A_14 : memref<1x64xi32, #tpu.memory_space<vmem>> -> memref<64xi32, #tpu.memory_space<vmem>>
    %dma_start3A_16 = tpu.memref_slice %arg2[%dma_start3A_6, %mul3A_2] : memref<4x2048xi32, #tpu.memory_space<hbm>> -> memref<1x64xi32, #tpu.memory_space<hbm>>
    %dma_start3A_17 = tpu.memref_squeeze %dma_start3A_16 : memref<1x64xi32, #tpu.memory_space<hbm>> -> memref<64xi32, #tpu.memory_space<hbm>>
    tpu.enqueue_dma source(%dma_start3A_17 : memref<64xi32, #tpu.memory_space<hbm>>) target(%dma_start3A_15 : memref<64xi32, #tpu.memory_space<vmem>>) target_semaphore(%arg9 : memref<!tpu.dma_semaphore, #tpu.memory_space<semaphore_mem>>)
    %dma_start3A_18 = arith.constant 1 : i32
    %dma_start3A_19 = arith.constant 0 : i32
    %dma_start3A_20 = arith.constant 64 : i32
    %dma_start3A_21 = tpu.memref_slice %arg6[%dma_start3A_19, %dma_start3A_20] : memref<2x128xi32, #tpu.memory_space<vmem>> -> memref<1x64xi32, #tpu.memory_space<vmem>>
    %dma_start3A_22 = tpu.memref_squeeze %dma_start3A_21 : memref<1x64xi32, #tpu.memory_space<vmem>> -> memref<64xi32, #tpu.memory_space<vmem>>
    %dma_start3A_23 = tpu.memref_slice %arg2[%dma_start3A_18, %mul3A_2] : memref<4x2048xi32, #tpu.memory_space<hbm>> -> memref<1x64xi32, #tpu.memory_space<hbm>>
    %dma_start3A_24 = tpu.memref_squeeze %dma_start3A_23 : memref<1x64xi32, #tpu.memory_space<hbm>> -> memref<64xi32, #tpu.memory_space<hbm>>
    %dma_start3A_25 = arith.constant 64 : i32
    %dma_start3A_26 = tpu.memref_slice %arg6[%dma_start3A_19, %dma_start3A_25] : memref<2x128xi32, #tpu.memory_space<vmem>> -> memref<1x64xi32, #tpu.memory_space<vmem>>
    %dma_start3A_27 = tpu.memref_squeeze %dma_start3A_26 : memref<1x64xi32, #tpu.memory_space<vmem>> -> memref<64xi32, #tpu.memory_space<vmem>>
    %dma_start3A_28 = tpu.memref_slice %arg2[%dma_start3A_18, %mul3A_2] : memref<4x2048xi32, #tpu.memory_space<hbm>> -> memref<1x64xi32, #tpu.memory_space<hbm>>
    %dma_start3A_29 = tpu.memref_squeeze %dma_start3A_28 : memref<1x64xi32, #tpu.memory_space<hbm>> -> memref<64xi32, #tpu.memory_space<hbm>>
    tpu.enqueue_dma source(%dma_start3A_29 : memref<64xi32, #tpu.memory_space<hbm>>) target(%dma_start3A_27 : memref<64xi32, #tpu.memory_space<vmem>>) target_semaphore(%arg9 : memref<!tpu.dma_semaphore, #tpu.memory_space<semaphore_mem>>)
    %dma_start3A_30 = arith.constant 2 : i32
    %dma_start3A_31 = arith.constant 1 : i32
    %dma_start3A_32 = arith.constant 0 : i32
    %dma_start3A_33 = tpu.memref_slice %arg6[%dma_start3A_31, %dma_start3A_32] : memref<2x128xi32, #tpu.memory_space<vmem>> -> memref<1x64xi32, #tpu.memory_space<vmem>>
    %dma_start3A_34 = tpu.memref_squeeze %dma_start3A_33 : memref<1x64xi32, #tpu.memory_space<vmem>> -> memref<64xi32, #tpu.memory_space<vmem>>
    %dma_start3A_35 = tpu.memref_slice %arg2[%dma_start3A_30, %mul3A_2] : memref<4x2048xi32, #tpu.memory_space<hbm>> -> memref<1x64xi32, #tpu.memory_space<hbm>>
    %dma_start3A_36 = tpu.memref_squeeze %dma_start3A_35 : memref<1x64xi32, #tpu.memory_space<hbm>> -> memref<64xi32, #tpu.memory_space<hbm>>
    %dma_start3A_37 = arith.constant 0 : i32
    %dma_start3A_38 = tpu.memref_slice %arg6[%dma_start3A_31, %dma_start3A_37] : memref<2x128xi32, #tpu.memory_space<vmem>> -> memref<1x64xi32, #tpu.memory_space<vmem>>
    %dma_start3A_39 = tpu.memref_squeeze %dma_start3A_38 : memref<1x64xi32, #tpu.memory_space<vmem>> -> memref<64xi32, #tpu.memory_space<vmem>>
    %dma_start3A_40 = tpu.memref_slice %arg2[%dma_start3A_30, %mul3A_2] : memref<4x2048xi32, #tpu.memory_space<hbm>> -> memref<1x64xi32, #tpu.memory_space<hbm>>
    %dma_start3A_41 = tpu.memref_squeeze %dma_start3A_40 : memref<1x64xi32, #tpu.memory_space<hbm>> -> memref<64xi32, #tpu.memory_space<hbm>>
    tpu.enqueue_dma source(%dma_start3A_41 : memref<64xi32, #tpu.memory_space<hbm>>) target(%dma_start3A_39 : memref<64xi32, #tpu.memory_space<vmem>>) target_semaphore(%arg9 : memref<!tpu.dma_semaphore, #tpu.memory_space<semaphore_mem>>)
    %dma_start3A_42 = arith.constant 3 : i32
    %dma_start3A_43 = arith.constant 1 : i32
    %dma_start3A_44 = arith.constant 64 : i32
    %dma_start3A_45 = tpu.memref_slice %arg6[%dma_start3A_43, %dma_start3A_44] : memref<2x128xi32, #tpu.memory_space<vmem>> -> memref<1x64xi32, #tpu.memory_space<vmem>>
    %dma_start3A_46 = tpu.memref_squeeze %dma_start3A_45 : memref<1x64xi32, #tpu.memory_space<vmem>> -> memref<64xi32, #tpu.memory_space<vmem>>
    %dma_start3A_47 = tpu.memref_slice %arg2[%dma_start3A_42, %mul3A_2] : memref<4x2048xi32, #tpu.memory_space<hbm>> -> memref<1x64xi32, #tpu.memory_space<hbm>>
    %dma_start3A_48 = tpu.memref_squeeze %dma_start3A_47 : memref<1x64xi32, #tpu.memory_space<hbm>> -> memref<64xi32, #tpu.memory_space<hbm>>
    %dma_start3A_49 = arith.constant 64 : i32
    %dma_start3A_50 = tpu.memref_slice %arg6[%dma_start3A_43, %dma_start3A_49] : memref<2x128xi32, #tpu.memory_space<vmem>> -> memref<1x64xi32, #tpu.memory_space<vmem>>
    %dma_start3A_51 = tpu.memref_squeeze %dma_start3A_50 : memref<1x64xi32, #tpu.memory_space<vmem>> -> memref<64xi32, #tpu.memory_space<vmem>>
    %dma_start3A_52 = tpu.memref_slice %arg2[%dma_start3A_42, %mul3A_2] : memref<4x2048xi32, #tpu.memory_space<hbm>> -> memref<1x64xi32, #tpu.memory_space<hbm>>
    %dma_start3A_53 = tpu.memref_squeeze %dma_start3A_52 : memref<1x64xi32, #tpu.memory_space<hbm>> -> memref<64xi32, #tpu.memory_space<hbm>>
    tpu.enqueue_dma source(%dma_start3A_53 : memref<64xi32, #tpu.memory_space<hbm>>) target(%dma_start3A_51 : memref<64xi32, #tpu.memory_space<vmem>>) target_semaphore(%arg9 : memref<!tpu.dma_semaphore, #tpu.memory_space<semaphore_mem>>)
    %dma_wait3A = arith.constant 0 : i32
    %dma_wait3A_54 = arith.constant 0 : i32
    %dma_wait3A_55 = arith.constant 0 : i32
    %dma_wait3A_56 = tpu.memref_slice %arg6[%dma_wait3A_54, %dma_wait3A_55] : memref<2x128xi32, #tpu.memory_space<vmem>> -> memref<1x64xi32, #tpu.memory_space<vmem>>
    %dma_wait3A_57 = tpu.memref_squeeze %dma_wait3A_56 : memref<1x64xi32, #tpu.memory_space<vmem>> -> memref<64xi32, #tpu.memory_space<vmem>>
    %dma_wait3A_58 = tpu.memref_slice %arg2[%dma_wait3A, %mul3A_2] : memref<4x2048xi32, #tpu.memory_space<hbm>> -> memref<1x64xi32, #tpu.memory_space<hbm>>
    %dma_wait3A_59 = tpu.memref_squeeze %dma_wait3A_58 : memref<1x64xi32, #tpu.memory_space<hbm>> -> memref<64xi32, #tpu.memory_space<hbm>>
    %dma_wait3A_60 = arith.constant 0 : i32
    %dma_wait3A_61 = tpu.memref_slice %arg6[%dma_wait3A_54, %dma_wait3A_60] : memref<2x128xi32, #tpu.memory_space<vmem>> -> memref<1x64xi32, #tpu.memory_space<vmem>>
    %dma_wait3A_62 = tpu.memref_squeeze %dma_wait3A_61 : memref<1x64xi32, #tpu.memory_space<vmem>> -> memref<64xi32, #tpu.memory_space<vmem>>
    %dma_wait3A_63 = tpu.memref_slice %arg2[%dma_wait3A, %mul3A_2] : memref<4x2048xi32, #tpu.memory_space<hbm>> -> memref<1x64xi32, #tpu.memory_space<hbm>>
    %dma_wait3A_64 = tpu.memref_squeeze %dma_wait3A_63 : memref<1x64xi32, #tpu.memory_space<hbm>> -> memref<64xi32, #tpu.memory_space<hbm>>
    tpu.wait_dma2 semaphore(%arg9 : memref<!tpu.dma_semaphore, #tpu.memory_space<semaphore_mem>>) src(%dma_wait3A_64 : memref<64xi32, #tpu.memory_space<hbm>>) dst(%dma_wait3A_62 : memref<64xi32, #tpu.memory_space<vmem>>)
    %dma_wait3A_65 = arith.constant 1 : i32
    %dma_wait3A_66 = arith.constant 0 : i32
    %dma_wait3A_67 = arith.constant 64 : i32
    %dma_wait3A_68 = tpu.memref_slice %arg6[%dma_wait3A_66, %dma_wait3A_67] : memref<2x128xi32, #tpu.memory_space<vmem>> -> memref<1x64xi32, #tpu.memory_space<vmem>>
    %dma_wait3A_69 = tpu.memref_squeeze %dma_wait3A_68 : memref<1x64xi32, #tpu.memory_space<vmem>> -> memref<64xi32, #tpu.memory_space<vmem>>
    %dma_wait3A_70 = tpu.memref_slice %arg2[%dma_wait3A_65, %mul3A_2] : memref<4x2048xi32, #tpu.memory_space<hbm>> -> memref<1x64xi32, #tpu.memory_space<hbm>>
    %dma_wait3A_71 = tpu.memref_squeeze %dma_wait3A_70 : memref<1x64xi32, #tpu.memory_space<hbm>> -> memref<64xi32, #tpu.memory_space<hbm>>
    %dma_wait3A_72 = arith.constant 64 : i32
    %dma_wait3A_73 = tpu.memref_slice %arg6[%dma_wait3A_66, %dma_wait3A_72] : memref<2x128xi32, #tpu.memory_space<vmem>> -> memref<1x64xi32, #tpu.memory_space<vmem>>
    %dma_wait3A_74 = tpu.memref_squeeze %dma_wait3A_73 : memref<1x64xi32, #tpu.memory_space<vmem>> -> memref<64xi32, #tpu.memory_space<vmem>>
    %dma_wait3A_75 = tpu.memref_slice %arg2[%dma_wait3A_65, %mul3A_2] : memref<4x2048xi32, #tpu.memory_space<hbm>> -> memref<1x64xi32, #tpu.memory_space<hbm>>
    %dma_wait3A_76 = tpu.memref_squeeze %dma_wait3A_75 : memref<1x64xi32, #tpu.memory_space<hbm>> -> memref<64xi32, #tpu.memory_space<hbm>>
    tpu.wait_dma2 semaphore(%arg9 : memref<!tpu.dma_semaphore, #tpu.memory_space<semaphore_mem>>) src(%dma_wait3A_76 : memref<64xi32, #tpu.memory_space<hbm>>) dst(%dma_wait3A_74 : memref<64xi32, #tpu.memory_space<vmem>>)
    %dma_start3A_77 = arith.constant 0 : i32
    %dma_start3A_78 = arith.constant 0 : i32
    %dma_start3A_79 = arith.constant 0 : i32
    %dma_start3A_80 = tpu.memref_slice %arg7[%dma_start3A_78, %dma_start3A_79] : memref<256x128xf32, #tpu.memory_space<vmem>> -> memref<128x128xf32, #tpu.memory_space<vmem>>
    %dma_start3A_81 = arith.constant 0 : i32
    %dma_start3A_82 = tpu.memref_slice %arg6[%dma_start3A_77, %dma_start3A_81] : memref<2x128xi32, #tpu.memory_space<vmem>> -> memref<1x128xi32, #tpu.memory_space<vmem>>
    %dma_start3A_83 = tpu.memref_squeeze %dma_start3A_82 : memref<1x128xi32, #tpu.memory_space<vmem>> -> memref<128xi32, #tpu.memory_space<vmem>>
    %dma_start3A_84 = arith.constant 0 : i32
    %dma_start3A_85 = arith.constant 0 : i32
    %dma_start3A_86 = tpu.memref_slice %arg3[%dma_start3A_84, %dma_start3A_85] : memref<100000x128xf32, #tpu.memory_space<hbm>> -> memref<100000x128xf32, #tpu.memory_space<hbm>>
    tpu.enqueue_indirect_dma source(%dma_start3A_86 : memref<100000x128xf32, #tpu.memory_space<hbm>>) target(%dma_start3A_80 : memref<128x128xf32, #tpu.memory_space<vmem>>) offsets(%dma_start3A_83 : memref<128xi32, #tpu.memory_space<vmem>>) semaphore(%arg11 : memref<!tpu.dma_semaphore, #tpu.memory_space<semaphore_mem>>)
    %dma_wait3A_87 = arith.constant 2 : i32
    %dma_wait3A_88 = arith.constant 1 : i32
    %dma_wait3A_89 = arith.constant 0 : i32
    %dma_wait3A_90 = tpu.memref_slice %arg6[%dma_wait3A_88, %dma_wait3A_89] : memref<2x128xi32, #tpu.memory_space<vmem>> -> memref<1x64xi32, #tpu.memory_space<vmem>>
    %dma_wait3A_91 = tpu.memref_squeeze %dma_wait3A_90 : memref<1x64xi32, #tpu.memory_space<vmem>> -> memref<64xi32, #tpu.memory_space<vmem>>
    %dma_wait3A_92 = tpu.memref_slice %arg2[%dma_wait3A_87, %mul3A_2] : memref<4x2048xi32, #tpu.memory_space<hbm>> -> memref<1x64xi32, #tpu.memory_space<hbm>>
    %dma_wait3A_93 = tpu.memref_squeeze %dma_wait3A_92 : memref<1x64xi32, #tpu.memory_space<hbm>> -> memref<64xi32, #tpu.memory_space<hbm>>
    %dma_wait3A_94 = arith.constant 0 : i32
    %dma_wait3A_95 = tpu.memref_slice %arg6[%dma_wait3A_88, %dma_wait3A_94] : memref<2x128xi32, #tpu.memory_space<vmem>> -> memref<1x64xi32, #tpu.memory_space<vmem>>
    %dma_wait3A_96 = tpu.memref_squeeze %dma_wait3A_95 : memref<1x64xi32, #tpu.memory_space<vmem>> -> memref<64xi32, #tpu.memory_space<vmem>>
    %dma_wait3A_97 = tpu.memref_slice %arg2[%dma_wait3A_87, %mul3A_2] : memref<4x2048xi32, #tpu.memory_space<hbm>> -> memref<1x64xi32, #tpu.memory_space<hbm>>
    %dma_wait3A_98 = tpu.memref_squeeze %dma_wait3A_97 : memref<1x64xi32, #tpu.memory_space<hbm>> -> memref<64xi32, #tpu.memory_space<hbm>>
    tpu.wait_dma2 semaphore(%arg9 : memref<!tpu.dma_semaphore, #tpu.memory_space<semaphore_mem>>) src(%dma_wait3A_98 : memref<64xi32, #tpu.memory_space<hbm>>) dst(%dma_wait3A_96 : memref<64xi32, #tpu.memory_space<vmem>>)
    %dma_wait3A_99 = arith.constant 3 : i32
    %dma_wait3A_100 = arith.constant 1 : i32
    %dma_wait3A_101 = arith.constant 64 : i32
    %dma_wait3A_102 = tpu.memref_slice %arg6[%dma_wait3A_100, %dma_wait3A_101] : memref<2x128xi32, #tpu.memory_space<vmem>> -> memref<1x64xi32, #tpu.memory_space<vmem>>
    %dma_wait3A_103 = tpu.memref_squeeze %dma_wait3A_102 : memref<1x64xi32, #tpu.memory_space<vmem>> -> memref<64xi32, #tpu.memory_space<vmem>>
    %dma_wait3A_104 = tpu.memref_slice %arg2[%dma_wait3A_99, %mul3A_2] : memref<4x2048xi32, #tpu.memory_space<hbm>> -> memref<1x64xi32, #tpu.memory_space<hbm>>
    %dma_wait3A_105 = tpu.memref_squeeze %dma_wait3A_104 : memref<1x64xi32, #tpu.memory_space<hbm>> -> memref<64xi32, #tpu.memory_space<hbm>>
    %dma_wait3A_106 = arith.constant 64 : i32
    %dma_wait3A_107 = tpu.memref_slice %arg6[%dma_wait3A_100, %dma_wait3A_106] : memref<2x128xi32, #tpu.memory_space<vmem>> -> memref<1x64xi32, #tpu.memory_space<vmem>>
    %dma_wait3A_108 = tpu.memref_squeeze %dma_wait3A_107 : memref<1x64xi32, #tpu.memory_space<vmem>> -> memref<64xi32, #tpu.memory_space<vmem>>
    %dma_wait3A_109 = tpu.memref_slice %arg2[%dma_wait3A_99, %mul3A_2] : memref<4x2048xi32, #tpu.memory_space<hbm>> -> memref<1x64xi32, #tpu.memory_space<hbm>>
    %dma_wait3A_110 = tpu.memref_squeeze %dma_wait3A_109 : memref<1x64xi32, #tpu.memory_space<hbm>> -> memref<64xi32, #tpu.memory_space<hbm>>
    tpu.wait_dma2 semaphore(%arg9 : memref<!tpu.dma_semaphore, #tpu.memory_space<semaphore_mem>>) src(%dma_wait3A_110 : memref<64xi32, #tpu.memory_space<hbm>>) dst(%dma_wait3A_108 : memref<64xi32, #tpu.memory_space<vmem>>)
    %dma_start3A_111 = arith.constant 1 : i32
    %dma_start3A_112 = arith.constant 128 : i32
    %dma_start3A_113 = arith.constant 0 : i32
    %dma_start3A_114 = tpu.memref_slice %arg7[%dma_start3A_112, %dma_start3A_113] : memref<256x128xf32, #tpu.memory_space<vmem>> -> memref<128x128xf32, #tpu.memory_space<vmem>>
    %dma_start3A_115 = arith.constant 0 : i32
    %dma_start3A_116 = tpu.memref_slice %arg6[%dma_start3A_111, %dma_start3A_115] : memref<2x128xi32, #tpu.memory_space<vmem>> -> memref<1x128xi32, #tpu.memory_space<vmem>>
    %dma_start3A_117 = tpu.memref_squeeze %dma_start3A_116 : memref<1x128xi32, #tpu.memory_space<vmem>> -> memref<128xi32, #tpu.memory_space<vmem>>
    %dma_start3A_118 = arith.constant 0 : i32
    %dma_start3A_119 = arith.constant 0 : i32
    %dma_start3A_120 = tpu.memref_slice %arg3[%dma_start3A_118, %dma_start3A_119] : memref<100000x128xf32, #tpu.memory_space<hbm>> -> memref<100000x128xf32, #tpu.memory_space<hbm>>
    tpu.enqueue_indirect_dma source(%dma_start3A_120 : memref<100000x128xf32, #tpu.memory_space<hbm>>) target(%dma_start3A_114 : memref<128x128xf32, #tpu.memory_space<vmem>>) offsets(%dma_start3A_117 : memref<128xi32, #tpu.memory_space<vmem>>) semaphore(%arg12 : memref<!tpu.dma_semaphore, #tpu.memory_space<semaphore_mem>>)
    %dma_wait3A_121 = arith.constant 0 : i32
    %dma_wait3A_122 = tpu.memref_slice %arg4[%mul3A_2, %dma_wait3A_121] : memref<2048x128xf32, #tpu.memory_space<hbm>> -> memref<64x128xf32, #tpu.memory_space<hbm>>
    %dma_wait3A_123 = arith.constant 0 : i32
    %dma_wait3A_124 = tpu.memref_slice %arg4[%mul3A_2, %dma_wait3A_123] : memref<2048x128xf32, #tpu.memory_space<hbm>> -> memref<64x128xf32, #tpu.memory_space<hbm>>
    tpu.wait_dma2 semaphore(%arg10 : memref<!tpu.dma_semaphore, #tpu.memory_space<semaphore_mem>>) src(%dma_wait3A_124 : memref<64x128xf32, #tpu.memory_space<hbm>>) dst(%arg8 : memref<64x128xf32, #tpu.memory_space<vmem>>)
    %dma_wait3A_125 = arith.constant 0 : i32
    %dma_wait3A_126 = arith.constant 0 : i32
    %dma_wait3A_127 = arith.constant 0 : i32
    %dma_wait3A_128 = tpu.memref_slice %arg7[%dma_wait3A_126, %dma_wait3A_127] : memref<256x128xf32, #tpu.memory_space<vmem>> -> memref<128x128xf32, #tpu.memory_space<vmem>>
    %dma_wait3A_129 = arith.constant 0 : i32
    %dma_wait3A_130 = tpu.memref_slice %arg6[%dma_wait3A_125, %dma_wait3A_129] : memref<2x128xi32, #tpu.memory_space<vmem>> -> memref<1x128xi32, #tpu.memory_space<vmem>>
    %dma_wait3A_131 = tpu.memref_squeeze %dma_wait3A_130 : memref<1x128xi32, #tpu.memory_space<vmem>> -> memref<128xi32, #tpu.memory_space<vmem>>
    %dma_wait3A_132 = arith.constant 0 : i32
    %dma_wait3A_133 = arith.constant 0 : i32
    %dma_wait3A_134 = tpu.memref_slice %arg3[%dma_wait3A_132, %dma_wait3A_133] : memref<100000x128xf32, #tpu.memory_space<hbm>> -> memref<100000x128xf32, #tpu.memory_space<hbm>>
    tpu.wait_indirect_dma semaphore(%arg11 : memref<!tpu.dma_semaphore, #tpu.memory_space<semaphore_mem>>) src(%dma_wait3A_134 : memref<100000x128xf32, #tpu.memory_space<hbm>>) dst(%dma_wait3A_128 : memref<128x128xf32, #tpu.memory_space<vmem>>)
    %scan3A = arith.constant 0 : i32
    %scan3A_135 = arith.constant 0 : i32
    %scan3A_136 = arith.constant 64 : i32
    %scan3A_137 = arith.addi %scan3A_135, %scan3A_136 : i32
    %scan3A_138 = arith.constant 1 : i32
    scf.for %scan3A_260 = %scan3A_135 to %scan3A_137 step %scan3A_138  : i32 {
      %get3A = arith.index_cast %scan3A_260 : i32 to index
      %get3A_261 = arith.constant 0 : index
      %get3A_262 = tpu.vector_load %arg8[%get3A, %get3A_261] {strides = array<i32>} : memref<64x128xf32, #tpu.memory_space<vmem>>, vector<1x16xf32>,
      %get3A_263 = vector.shape_cast %get3A_262 : vector<1x16xf32> to vector<16xf32>
      %add3A_264 = arith.constant 0 : i32
      %add3A_265 = arith.addi %add3A_264, %scan3A_260 : i32
      %swap3A = arith.index_cast %add3A_265 : i32 to index
      %swap3A_266 = arith.constant 0 : index
      %swap3A_267 = tpu.vector_load %arg7[%swap3A, %swap3A_266] {strides = array<i32>} : memref<256x128xf32, #tpu.memory_space<vmem>>, vector<1x16xf32>,
      %swap3A_268 = vector.shape_cast %swap3A_267 : vector<1x16xf32> to vector<16xf32>
      %swap3A_269 = vector.shape_cast %get3A_263 : vector<16xf32> to vector<1x16xf32>
      tpu.vector_store %arg7[%swap3A, %swap3A_266], %swap3A_269 {add = true, strides = array<i32>} : memref<256x128xf32, #tpu.memory_space<vmem>>, vector<1x16xf32>,
      %add3A_270 = arith.constant 64 : i32
      %add3A_271 = arith.addi %add3A_270, %scan3A_260 : i32
      %swap3A_272 = arith.index_cast %add3A_271 : i32 to index
      %swap3A_273 = arith.constant 0 : index
      %swap3A_274 = tpu.vector_load %arg7[%swap3A_272, %swap3A_273] {strides = array<i32>} : memref<256x128xf32, #tpu.memory_space<vmem>>, vector<1x16xf32>,
      %swap3A_275 = vector.shape_cast %swap3A_274 : vector<1x16xf32> to vector<16xf32>
      %swap3A_276 = vector.shape_cast %get3A_263 : vector<16xf32> to vector<1x16xf32>
      tpu.vector_store %arg7[%swap3A_272, %swap3A_273], %swap3A_276 {add = true, strides = array<i32>} : memref<256x128xf32, #tpu.memory_space<vmem>>, vector<1x16xf32>,
      %get3A_277 = arith.index_cast %scan3A_260 : i32 to index
      %get3A_278 = arith.constant 16 : index
      %get3A_279 = tpu.vector_load %arg8[%get3A_277, %get3A_278] {strides = array<i32>} : memref<64x128xf32, #tpu.memory_space<vmem>>, vector<1x16xf32>,
      %get3A_280 = vector.shape_cast %get3A_279 : vector<1x16xf32> to vector<16xf32>
      %add3A_281 = arith.constant 0 : i32
      %add3A_282 = arith.addi %add3A_281, %scan3A_260 : i32
      %swap3A_283 = arith.index_cast %add3A_282 : i32 to index
      %swap3A_284 = arith.constant 16 : index
      %swap3A_285 = tpu.vector_load %arg7[%swap3A_283, %swap3A_284] {strides = array<i32>} : memref<256x128xf32, #tpu.memory_space<vmem>>, vector<1x16xf32>,
      %swap3A_286 = vector.shape_cast %swap3A_285 : vector<1x16xf32> to vector<16xf32>
      %swap3A_287 = vector.shape_cast %get3A_280 : vector<16xf32> to vector<1x16xf32>
      tpu.vector_store %arg7[%swap3A_283, %swap3A_284], %swap3A_287 {add = true, strides = array<i32>} : memref<256x128xf32, #tpu.memory_space<vmem>>, vector<1x16xf32>,
      %add3A_288 = arith.constant 64 : i32
      %add3A_289 = arith.addi %add3A_288, %scan3A_260 : i32
      %swap3A_290 = arith.index_cast %add3A_289 : i32 to index
      %swap3A_291 = arith.constant 16 : index
      %swap3A_292 = tpu.vector_load %arg7[%swap3A_290, %swap3A_291] {strides = array<i32>} : memref<256x128xf32, #tpu.memory_space<vmem>>, vector<1x16xf32>,
      %swap3A_293 = vector.shape_cast %swap3A_292 : vector<1x16xf32> to vector<16xf32>
      %swap3A_294 = vector.shape_cast %get3A_280 : vector<16xf32> to vector<1x16xf32>
      tpu.vector_store %arg7[%swap3A_290, %swap3A_291], %swap3A_294 {add = true, strides = array<i32>} : memref<256x128xf32, #tpu.memory_space<vmem>>, vector<1x16xf32>,
      %get3A_295 = arith.index_cast %scan3A_260 : i32 to index
      %get3A_296 = arith.constant 32 : index
      %get3A_297 = tpu.vector_load %arg8[%get3A_295, %get3A_296] {strides = array<i32>} : memref<64x128xf32, #tpu.memory_space<vmem>>, vector<1x16xf32>,
      %get3A_298 = vector.shape_cast %get3A_297 : vector<1x16xf32> to vector<16xf32>
      %add3A_299 = arith.constant 0 : i32
      %add3A_300 = arith.addi %add3A_299, %scan3A_260 : i32
      %swap3A_301 = arith.index_cast %add3A_300 : i32 to index
      %swap3A_302 = arith.constant 32 : index
      %swap3A_303 = tpu.vector_load %arg7[%swap3A_301, %swap3A_302] {strides = array<i32>} : memref<256x128xf32, #tpu.memory_space<vmem>>, vector<1x16xf32>,
      %swap3A_304 = vector.shape_cast %swap3A_303 : vector<1x16xf32> to vector<16xf32>
      %swap3A_305 = vector.shape_cast %get3A_298 : vector<16xf32> to vector<1x16xf32>
      tpu.vector_store %arg7[%swap3A_301, %swap3A_302], %swap3A_305 {add = true, strides = array<i32>} : memref<256x128xf32, #tpu.memory_space<vmem>>, vector<1x16xf32>,
      %add3A_306 = arith.constant 64 : i32
      %add3A_307 = arith.addi %add3A_306, %scan3A_260 : i32
      %swap3A_308 = arith.index_cast %add3A_307 : i32 to index
      %swap3A_309 = arith.constant 32 : index
      %swap3A_310 = tpu.vector_load %arg7[%swap3A_308, %swap3A_309] {strides = array<i32>} : memref<256x128xf32, #tpu.memory_space<vmem>>, vector<1x16xf32>,
      %swap3A_311 = vector.shape_cast %swap3A_310 : vector<1x16xf32> to vector<16xf32>
      %swap3A_312 = vector.shape_cast %get3A_298 : vector<16xf32> to vector<1x16xf32>
      tpu.vector_store %arg7[%swap3A_308, %swap3A_309], %swap3A_312 {add = true, strides = array<i32>} : memref<256x128xf32, #tpu.memory_space<vmem>>, vector<1x16xf32>,
      %get3A_313 = arith.index_cast %scan3A_260 : i32 to index
      %get3A_314 = arith.constant 48 : index
      %get3A_315 = tpu.vector_load %arg8[%get3A_313, %get3A_314] {strides = array<i32>} : memref<64x128xf32, #tpu.memory_space<vmem>>, vector<1x16xf32>,
      %get3A_316 = vector.shape_cast %get3A_315 : vector<1x16xf32> to vector<16xf32>
      %add3A_317 = arith.constant 0 : i32
      %add3A_318 = arith.addi %add3A_317, %scan3A_260 : i32
      %swap3A_319 = arith.index_cast %add3A_318 : i32 to index
      %swap3A_320 = arith.constant 48 : index
      %swap3A_321 = tpu.vector_load %arg7[%swap3A_319, %swap3A_320] {strides = array<i32>} : memref<256x128xf32, #tpu.memory_space<vmem>>, vector<1x16xf32>,
      %swap3A_322 = vector.shape_cast %swap3A_321 : vector<1x16xf32> to vector<16xf32>
      %swap3A_323 = vector.shape_cast %get3A_316 : vector<16xf32> to vector<1x16xf32>
      tpu.vector_store %arg7[%swap3A_319, %swap3A_320], %swap3A_323 {add = true, strides = array<i32>} : memref<256x128xf32, #tpu.memory_space<vmem>>, vector<1x16xf32>,
      %add3A_324 = arith.constant 64 : i32
      %add3A_325 = arith.addi %add3A_324, %scan3A_260 : i32
      %swap3A_326 = arith.index_cast %add3A_325 : i32 to index
      %swap3A_327 = arith.constant 48 : index
      %swap3A_328 = tpu.vector_load %arg7[%swap3A_326, %swap3A_327] {strides = array<i32>} : memref<256x128xf32, #tpu.memory_space<vmem>>, vector<1x16xf32>,
      %swap3A_329 = vector.shape_cast %swap3A_328 : vector<1x16xf32> to vector<16xf32>
      %swap3A_330 = vector.shape_cast %get3A_316 : vector<16xf32> to vector<1x16xf32>
      tpu.vector_store %arg7[%swap3A_326, %swap3A_327], %swap3A_330 {add = true, strides = array<i32>} : memref<256x128xf32, #tpu.memory_space<vmem>>, vector<1x16xf32>,
      %get3A_331 = arith.index_cast %scan3A_260 : i32 to index
      %get3A_332 = arith.constant 64 : index
      %get3A_333 = tpu.vector_load %arg8[%get3A_331, %get3A_332] {strides = array<i32>} : memref<64x128xf32, #tpu.memory_space<vmem>>, vector<1x16xf32>,
      %get3A_334 = vector.shape_cast %get3A_333 : vector<1x16xf32> to vector<16xf32>
      %add3A_335 = arith.constant 0 : i32
      %add3A_336 = arith.addi %add3A_335, %scan3A_260 : i32
      %swap3A_337 = arith.index_cast %add3A_336 : i32 to index
      %swap3A_338 = arith.constant 64 : index
      %swap3A_339 = tpu.vector_load %arg7[%swap3A_337, %swap3A_338] {strides = array<i32>} : memref<256x128xf32, #tpu.memory_space<vmem>>, vector<1x16xf32>,
      %swap3A_340 = vector.shape_cast %swap3A_339 : vector<1x16xf32> to vector<16xf32>
      %swap3A_341 = vector.shape_cast %get3A_334 : vector<16xf32> to vector<1x16xf32>
      tpu.vector_store %arg7[%swap3A_337, %swap3A_338], %swap3A_341 {add = true, strides = array<i32>} : memref<256x128xf32, #tpu.memory_space<vmem>>, vector<1x16xf32>,
      %add3A_342 = arith.constant 64 : i32
      %add3A_343 = arith.addi %add3A_342, %scan3A_260 : i32
      %swap3A_344 = arith.index_cast %add3A_343 : i32 to index
      %swap3A_345 = arith.constant 64 : index
      %swap3A_346 = tpu.vector_load %arg7[%swap3A_344, %swap3A_345] {strides = array<i32>} : memref<256x128xf32, #tpu.memory_space<vmem>>, vector<1x16xf32>,
      %swap3A_347 = vector.shape_cast %swap3A_346 : vector<1x16xf32> to vector<16xf32>
      %swap3A_348 = vector.shape_cast %get3A_334 : vector<16xf32> to vector<1x16xf32>
      tpu.vector_store %arg7[%swap3A_344, %swap3A_345], %swap3A_348 {add = true, strides = array<i32>} : memref<256x128xf32, #tpu.memory_space<vmem>>, vector<1x16xf32>,
      %get3A_349 = arith.index_cast %scan3A_260 : i32 to index
      %get3A_350 = arith.constant 80 : index
      %get3A_351 = tpu.vector_load %arg8[%get3A_349, %get3A_350] {strides = array<i32>} : memref<64x128xf32, #tpu.memory_space<vmem>>, vector<1x16xf32>,
      %get3A_352 = vector.shape_cast %get3A_351 : vector<1x16xf32> to vector<16xf32>
      %add3A_353 = arith.constant 0 : i32
      %add3A_354 = arith.addi %add3A_353, %scan3A_260 : i32
      %swap3A_355 = arith.index_cast %add3A_354 : i32 to index
      %swap3A_356 = arith.constant 80 : index
      %swap3A_357 = tpu.vector_load %arg7[%swap3A_355, %swap3A_356] {strides = array<i32>} : memref<256x128xf32, #tpu.memory_space<vmem>>, vector<1x16xf32>,
      %swap3A_358 = vector.shape_cast %swap3A_357 : vector<1x16xf32> to vector<16xf32>
      %swap3A_359 = vector.shape_cast %get3A_352 : vector<16xf32> to vector<1x16xf32>
      tpu.vector_store %arg7[%swap3A_355, %swap3A_356], %swap3A_359 {add = true, strides = array<i32>} : memref<256x128xf32, #tpu.memory_space<vmem>>, vector<1x16xf32>,
      %add3A_360 = arith.constant 64 : i32
      %add3A_361 = arith.addi %add3A_360, %scan3A_260 : i32
      %swap3A_362 = arith.index_cast %add3A_361 : i32 to index
      %swap3A_363 = arith.constant 80 : index
      %swap3A_364 = tpu.vector_load %arg7[%swap3A_362, %swap3A_363] {strides = array<i32>} : memref<256x128xf32, #tpu.memory_space<vmem>>, vector<1x16xf32>,
      %swap3A_365 = vector.shape_cast %swap3A_364 : vector<1x16xf32> to vector<16xf32>
      %swap3A_366 = vector.shape_cast %get3A_352 : vector<16xf32> to vector<1x16xf32>
      tpu.vector_store %arg7[%swap3A_362, %swap3A_363], %swap3A_366 {add = true, strides = array<i32>} : memref<256x128xf32, #tpu.memory_space<vmem>>, vector<1x16xf32>,
      %get3A_367 = arith.index_cast %scan3A_260 : i32 to index
      %get3A_368 = arith.constant 96 : index
      %get3A_369 = tpu.vector_load %arg8[%get3A_367, %get3A_368] {strides = array<i32>} : memref<64x128xf32, #tpu.memory_space<vmem>>, vector<1x16xf32>,
      %get3A_370 = vector.shape_cast %get3A_369 : vector<1x16xf32> to vector<16xf32>
      %add3A_371 = arith.constant 0 : i32
      %add3A_372 = arith.addi %add3A_371, %scan3A_260 : i32
      %swap3A_373 = arith.index_cast %add3A_372 : i32 to index
      %swap3A_374 = arith.constant 96 : index
      %swap3A_375 = tpu.vector_load %arg7[%swap3A_373, %swap3A_374] {strides = array<i32>} : memref<256x128xf32, #tpu.memory_space<vmem>>, vector<1x16xf32>,
      %swap3A_376 = vector.shape_cast %swap3A_375 : vector<1x16xf32> to vector<16xf32>
      %swap3A_377 = vector.shape_cast %get3A_370 : vector<16xf32> to vector<1x16xf32>
      tpu.vector_store %arg7[%swap3A_373, %swap3A_374], %swap3A_377 {add = true, strides = array<i32>} : memref<256x128xf32, #tpu.memory_space<vmem>>, vector<1x16xf32>,
      %add3A_378 = arith.constant 64 : i32
      %add3A_379 = arith.addi %add3A_378, %scan3A_260 : i32
      %swap3A_380 = arith.index_cast %add3A_379 : i32 to index
      %swap3A_381 = arith.constant 96 : index
      %swap3A_382 = tpu.vector_load %arg7[%swap3A_380, %swap3A_381] {strides = array<i32>} : memref<256x128xf32, #tpu.memory_space<vmem>>, vector<1x16xf32>,
      %swap3A_383 = vector.shape_cast %swap3A_382 : vector<1x16xf32> to vector<16xf32>
      %swap3A_384 = vector.shape_cast %get3A_370 : vector<16xf32> to vector<1x16xf32>
      tpu.vector_store %arg7[%swap3A_380, %swap3A_381], %swap3A_384 {add = true, strides = array<i32>} : memref<256x128xf32, #tpu.memory_space<vmem>>, vector<1x16xf32>,
      %get3A_385 = arith.index_cast %scan3A_260 : i32 to index
      %get3A_386 = arith.constant 112 : index
      %get3A_387 = tpu.vector_load %arg8[%get3A_385, %get3A_386] {strides = array<i32>} : memref<64x128xf32, #tpu.memory_space<vmem>>, vector<1x16xf32>,
      %get3A_388 = vector.shape_cast %get3A_387 : vector<1x16xf32> to vector<16xf32>
      %add3A_389 = arith.constant 0 : i32
      %add3A_390 = arith.addi %add3A_389, %scan3A_260 : i32
      %swap3A_391 = arith.index_cast %add3A_390 : i32 to index
      %swap3A_392 = arith.constant 112 : index
      %swap3A_393 = tpu.vector_load %arg7[%swap3A_391, %swap3A_392] {strides = array<i32>} : memref<256x128xf32, #tpu.memory_space<vmem>>, vector<1x16xf32>,
      %swap3A_394 = vector.shape_cast %swap3A_393 : vector<1x16xf32> to vector<16xf32>
      %swap3A_395 = vector.shape_cast %get3A_388 : vector<16xf32> to vector<1x16xf32>
      tpu.vector_store %arg7[%swap3A_391, %swap3A_392], %swap3A_395 {add = true, strides = array<i32>} : memref<256x128xf32, #tpu.memory_space<vmem>>, vector<1x16xf32>,
      %add3A_396 = arith.constant 64 : i32
      %add3A_397 = arith.addi %add3A_396, %scan3A_260 : i32
      %swap3A_398 = arith.index_cast %add3A_397 : i32 to index
      %swap3A_399 = arith.constant 112 : index
      %swap3A_400 = tpu.vector_load %arg7[%swap3A_398, %swap3A_399] {strides = array<i32>} : memref<256x128xf32, #tpu.memory_space<vmem>>, vector<1x16xf32>,
      %swap3A_401 = vector.shape_cast %swap3A_400 : vector<1x16xf32> to vector<16xf32>
      %swap3A_402 = vector.shape_cast %get3A_388 : vector<16xf32> to vector<1x16xf32>
      tpu.vector_store %arg7[%swap3A_398, %swap3A_399], %swap3A_402 {add = true, strides = array<i32>} : memref<256x128xf32, #tpu.memory_space<vmem>>, vector<1x16xf32>,
    }
    %scan3A_139 = arith.constant 64 : i32
    %dma_start3A_140 = arith.constant 0 : i32
    %dma_start3A_141 = arith.constant 0 : i32
    %dma_start3A_142 = arith.constant 0 : i32
    %dma_start3A_143 = tpu.memref_slice %arg7[%dma_start3A_141, %dma_start3A_142] : memref<256x128xf32, #tpu.memory_space<vmem>> -> memref<64x128xf32, #tpu.memory_space<vmem>>
    %dma_start3A_144 = arith.constant 0 : i32
    %dma_start3A_145 = tpu.memref_slice %arg5[%dma_start3A_140, %mul3A_2, %dma_start3A_144] : memref<4x2048x128xf32, #tpu.memory_space<hbm>> -> memref<1x64x128xf32, #tpu.memory_space<hbm>>
    %dma_start3A_146 = tpu.memref_squeeze %dma_start3A_145 : memref<1x64x128xf32, #tpu.memory_space<hbm>> -> memref<64x128xf32, #tpu.memory_space<hbm>>
    %dma_start3A_147 = arith.constant 0 : i32
    %dma_start3A_148 = tpu.memref_slice %arg5[%dma_start3A_140, %mul3A_2, %dma_start3A_147] : memref<4x2048x128xf32, #tpu.memory_space<hbm>> -> memref<1x64x128xf32, #tpu.memory_space<hbm>>
    %dma_start3A_149 = tpu.memref_squeeze %dma_start3A_148 : memref<1x64x128xf32, #tpu.memory_space<hbm>> -> memref<64x128xf32, #tpu.memory_space<hbm>>
    %dma_start3A_150 = arith.constant 0 : i32
    %dma_start3A_151 = arith.constant 0 : i32
    %dma_start3A_152 = tpu.memref_slice %arg7[%dma_start3A_150, %dma_start3A_151] : memref<256x128xf32, #tpu.memory_space<vmem>> -> memref<64x128xf32, #tpu.memory_space<vmem>>
    tpu.enqueue_dma source(%dma_start3A_152 : memref<64x128xf32, #tpu.memory_space<vmem>>) target(%dma_start3A_149 : memref<64x128xf32, #tpu.memory_space<hbm>>) target_semaphore(%arg13 : memref<!tpu.dma_semaphore, #tpu.memory_space<semaphore_mem>>)
    %dma_start3A_153 = arith.constant 1 : i32
    %dma_start3A_154 = arith.constant 64 : i32
    %dma_start3A_155 = arith.constant 0 : i32
    %dma_start3A_156 = tpu.memref_slice %arg7[%dma_start3A_154, %dma_start3A_155] : memref<256x128xf32, #tpu.memory_space<vmem>> -> memref<64x128xf32, #tpu.memory_space<vmem>>
    %dma_start3A_157 = arith.constant 0 : i32
    %dma_start3A_158 = tpu.memref_slice %arg5[%dma_start3A_153, %mul3A_2, %dma_start3A_157] : memref<4x2048x128xf32, #tpu.memory_space<hbm>> -> memref<1x64x128xf32, #tpu.memory_space<hbm>>
    %dma_start3A_159 = tpu.memref_squeeze %dma_start3A_158 : memref<1x64x128xf32, #tpu.memory_space<hbm>> -> memref<64x128xf32, #tpu.memory_space<hbm>>
    %dma_start3A_160 = arith.constant 0 : i32
    %dma_start3A_161 = tpu.memref_slice %arg5[%dma_start3A_153, %mul3A_2, %dma_start3A_160] : memref<4x2048x128xf32, #tpu.memory_space<hbm>> -> memref<1x64x128xf32, #tpu.memory_space<hbm>>
    %dma_start3A_162 = tpu.memref_squeeze %dma_start3A_161 : memref<1x64x128xf32, #tpu.memory_space<hbm>> -> memref<64x128xf32, #tpu.memory_space<hbm>>
    %dma_start3A_163 = arith.constant 64 : i32
    %dma_start3A_164 = arith.constant 0 : i32
    %dma_start3A_165 = tpu.memref_slice %arg7[%dma_start3A_163, %dma_start3A_164] : memref<256x128xf32, #tpu.memory_space<vmem>> -> memref<64x128xf32, #tpu.memory_space<vmem>>
    tpu.enqueue_dma source(%dma_start3A_165 : memref<64x128xf32, #tpu.memory_space<vmem>>) target(%dma_start3A_162 : memref<64x128xf32, #tpu.memory_space<hbm>>) target_semaphore(%arg13 : memref<!tpu.dma_semaphore, #tpu.memory_space<semaphore_mem>>)
    %dma_wait3A_166 = arith.constant 1 : i32
    %dma_wait3A_167 = arith.constant 128 : i32
    %dma_wait3A_168 = arith.constant 0 : i32
    %dma_wait3A_169 = tpu.memref_slice %arg7[%dma_wait3A_167, %dma_wait3A_168] : memref<256x128xf32, #tpu.memory_space<vmem>> -> memref<128x128xf32, #tpu.memory_space<vmem>>
    %dma_wait3A_170 = arith.constant 0 : i32
    %dma_wait3A_171 = tpu.memref_slice %arg6[%dma_wait3A_166, %dma_wait3A_170] : memref<2x128xi32, #tpu.memory_space<vmem>> -> memref<1x128xi32, #tpu.memory_space<vmem>>
    %dma_wait3A_172 = tpu.memref_squeeze %dma_wait3A_171 : memref<1x128xi32, #tpu.memory_space<vmem>> -> memref<128xi32, #tpu.memory_space<vmem>>
    %dma_wait3A_173 = arith.constant 0 : i32
    %dma_wait3A_174 = arith.constant 0 : i32
    %dma_wait3A_175 = tpu.memref_slice %arg3[%dma_wait3A_173, %dma_wait3A_174] : memref<100000x128xf32, #tpu.memory_space<hbm>> -> memref<100000x128xf32, #tpu.memory_space<hbm>>
    tpu.wait_indirect_dma semaphore(%arg12 : memref<!tpu.dma_semaphore, #tpu.memory_space<semaphore_mem>>) src(%dma_wait3A_175 : memref<100000x128xf32, #tpu.memory_space<hbm>>) dst(%dma_wait3A_169 : memref<128x128xf32, #tpu.memory_space<vmem>>)
    %scan3A_176 = arith.constant 0 : i32
    %scan3A_177 = arith.constant 0 : i32
    %scan3A_178 = arith.constant 64 : i32
    %scan3A_179 = arith.addi %scan3A_177, %scan3A_178 : i32
    %scan3A_180 = arith.constant 1 : i32
    scf.for %scan3A_260 = %scan3A_177 to %scan3A_179 step %scan3A_180  : i32 {
      %get3A = arith.index_cast %scan3A_260 : i32 to index
      %get3A_261 = arith.constant 0 : index
      %get3A_262 = tpu.vector_load %arg8[%get3A, %get3A_261] {strides = array<i32>} : memref<64x128xf32, #tpu.memory_space<vmem>>, vector<1x16xf32>,
      %get3A_263 = vector.shape_cast %get3A_262 : vector<1x16xf32> to vector<16xf32>
      %add3A_264 = arith.constant 128 : i32
      %add3A_265 = arith.addi %add3A_264, %scan3A_260 : i32
      %swap3A = arith.index_cast %add3A_265 : i32 to index
      %swap3A_266 = arith.constant 0 : index
      %swap3A_267 = tpu.vector_load %arg7[%swap3A, %swap3A_266] {strides = array<i32>} : memref<256x128xf32, #tpu.memory_space<vmem>>, vector<1x16xf32>,
      %swap3A_268 = vector.shape_cast %swap3A_267 : vector<1x16xf32> to vector<16xf32>
      %swap3A_269 = vector.shape_cast %get3A_263 : vector<16xf32> to vector<1x16xf32>
      tpu.vector_store %arg7[%swap3A, %swap3A_266], %swap3A_269 {add = true, strides = array<i32>} : memref<256x128xf32, #tpu.memory_space<vmem>>, vector<1x16xf32>,
      %add3A_270 = arith.constant 192 : i32
      %add3A_271 = arith.addi %add3A_270, %scan3A_260 : i32
      %swap3A_272 = arith.index_cast %add3A_271 : i32 to index
      %swap3A_273 = arith.constant 0 : index
      %swap3A_274 = tpu.vector_load %arg7[%swap3A_272, %swap3A_273] {strides = array<i32>} : memref<256x128xf32, #tpu.memory_space<vmem>>, vector<1x16xf32>,
      %swap3A_275 = vector.shape_cast %swap3A_274 : vector<1x16xf32> to vector<16xf32>
      %swap3A_276 = vector.shape_cast %get3A_263 : vector<16xf32> to vector<1x16xf32>
      tpu.vector_store %arg7[%swap3A_272, %swap3A_273], %swap3A_276 {add = true, strides = array<i32>} : memref<256x128xf32, #tpu.memory_space<vmem>>, vector<1x16xf32>,
      %get3A_277 = arith.index_cast %scan3A_260 : i32 to index
      %get3A_278 = arith.constant 16 : index
      %get3A_279 = tpu.vector_load %arg8[%get3A_277, %get3A_278] {strides = array<i32>} : memref<64x128xf32, #tpu.memory_space<vmem>>, vector<1x16xf32>,
      %get3A_280 = vector.shape_cast %get3A_279 : vector<1x16xf32> to vector<16xf32>
      %add3A_281 = arith.constant 128 : i32
      %add3A_282 = arith.addi %add3A_281, %scan3A_260 : i32
      %swap3A_283 = arith.index_cast %add3A_282 : i32 to index
      %swap3A_284 = arith.constant 16 : index
      %swap3A_285 = tpu.vector_load %arg7[%swap3A_283, %swap3A_284] {strides = array<i32>} : memref<256x128xf32, #tpu.memory_space<vmem>>, vector<1x16xf32>,
      %swap3A_286 = vector.shape_cast %swap3A_285 : vector<1x16xf32> to vector<16xf32>
      %swap3A_287 = vector.shape_cast %get3A_280 : vector<16xf32> to vector<1x16xf32>
      tpu.vector_store %arg7[%swap3A_283, %swap3A_284], %swap3A_287 {add = true, strides = array<i32>} : memref<256x128xf32, #tpu.memory_space<vmem>>, vector<1x16xf32>,
      %add3A_288 = arith.constant 192 : i32
      %add3A_289 = arith.addi %add3A_288, %scan3A_260 : i32
      %swap3A_290 = arith.index_cast %add3A_289 : i32 to index
      %swap3A_291 = arith.constant 16 : index
      %swap3A_292 = tpu.vector_load %arg7[%swap3A_290, %swap3A_291] {strides = array<i32>} : memref<256x128xf32, #tpu.memory_space<vmem>>, vector<1x16xf32>,
      %swap3A_293 = vector.shape_cast %swap3A_292 : vector<1x16xf32> to vector<16xf32>
      %swap3A_294 = vector.shape_cast %get3A_280 : vector<16xf32> to vector<1x16xf32>
      tpu.vector_store %arg7[%swap3A_290, %swap3A_291], %swap3A_294 {add = true, strides = array<i32>} : memref<256x128xf32, #tpu.memory_space<vmem>>, vector<1x16xf32>,
      %get3A_295 = arith.index_cast %scan3A_260 : i32 to index
      %get3A_296 = arith.constant 32 : index
      %get3A_297 = tpu.vector_load %arg8[%get3A_295, %get3A_296] {strides = array<i32>} : memref<64x128xf32, #tpu.memory_space<vmem>>, vector<1x16xf32>,
      %get3A_298 = vector.shape_cast %get3A_297 : vector<1x16xf32> to vector<16xf32>
      %add3A_299 = arith.constant 128 : i32
      %add3A_300 = arith.addi %add3A_299, %scan3A_260 : i32
      %swap3A_301 = arith.index_cast %add3A_300 : i32 to index
      %swap3A_302 = arith.constant 32 : index
      %swap3A_303 = tpu.vector_load %arg7[%swap3A_301, %swap3A_302] {strides = array<i32>} : memref<256x128xf32, #tpu.memory_space<vmem>>, vector<1x16xf32>,
      %swap3A_304 = vector.shape_cast %swap3A_303 : vector<1x16xf32> to vector<16xf32>
      %swap3A_305 = vector.shape_cast %get3A_298 : vector<16xf32> to vector<1x16xf32>
      tpu.vector_store %arg7[%swap3A_301, %swap3A_302], %swap3A_305 {add = true, strides = array<i32>} : memref<256x128xf32, #tpu.memory_space<vmem>>, vector<1x16xf32>,
      %add3A_306 = arith.constant 192 : i32
      %add3A_307 = arith.addi %add3A_306, %scan3A_260 : i32
      %swap3A_308 = arith.index_cast %add3A_307 : i32 to index
      %swap3A_309 = arith.constant 32 : index
      %swap3A_310 = tpu.vector_load %arg7[%swap3A_308, %swap3A_309] {strides = array<i32>} : memref<256x128xf32, #tpu.memory_space<vmem>>, vector<1x16xf32>,
      %swap3A_311 = vector.shape_cast %swap3A_310 : vector<1x16xf32> to vector<16xf32>
      %swap3A_312 = vector.shape_cast %get3A_298 : vector<16xf32> to vector<1x16xf32>
      tpu.vector_store %arg7[%swap3A_308, %swap3A_309], %swap3A_312 {add = true, strides = array<i32>} : memref<256x128xf32, #tpu.memory_space<vmem>>, vector<1x16xf32>,
      %get3A_313 = arith.index_cast %scan3A_260 : i32 to index
      %get3A_314 = arith.constant 48 : index
      %get3A_315 = tpu.vector_load %arg8[%get3A_313, %get3A_314] {strides = array<i32>} : memref<64x128xf32, #tpu.memory_space<vmem>>, vector<1x16xf32>,
      %get3A_316 = vector.shape_cast %get3A_315 : vector<1x16xf32> to vector<16xf32>
      %add3A_317 = arith.constant 128 : i32
      %add3A_318 = arith.addi %add3A_317, %scan3A_260 : i32
      %swap3A_319 = arith.index_cast %add3A_318 : i32 to index
      %swap3A_320 = arith.constant 48 : index
      %swap3A_321 = tpu.vector_load %arg7[%swap3A_319, %swap3A_320] {strides = array<i32>} : memref<256x128xf32, #tpu.memory_space<vmem>>, vector<1x16xf32>,
      %swap3A_322 = vector.shape_cast %swap3A_321 : vector<1x16xf32> to vector<16xf32>
      %swap3A_323 = vector.shape_cast %get3A_316 : vector<16xf32> to vector<1x16xf32>
      tpu.vector_store %arg7[%swap3A_319, %swap3A_320], %swap3A_323 {add = true, strides = array<i32>} : memref<256x128xf32, #tpu.memory_space<vmem>>, vector<1x16xf32>,
      %add3A_324 = arith.constant 192 : i32
      %add3A_325 = arith.addi %add3A_324, %scan3A_260 : i32
      %swap3A_326 = arith.index_cast %add3A_325 : i32 to index
      %swap3A_327 = arith.constant 48 : index
      %swap3A_328 = tpu.vector_load %arg7[%swap3A_326, %swap3A_327] {strides = array<i32>} : memref<256x128xf32, #tpu.memory_space<vmem>>, vector<1x16xf32>,
      %swap3A_329 = vector.shape_cast %swap3A_328 : vector<1x16xf32> to vector<16xf32>
      %swap3A_330 = vector.shape_cast %get3A_316 : vector<16xf32> to vector<1x16xf32>
      tpu.vector_store %arg7[%swap3A_326, %swap3A_327], %swap3A_330 {add = true, strides = array<i32>} : memref<256x128xf32, #tpu.memory_space<vmem>>, vector<1x16xf32>,
      %get3A_331 = arith.index_cast %scan3A_260 : i32 to index
      %get3A_332 = arith.constant 64 : index
      %get3A_333 = tpu.vector_load %arg8[%get3A_331, %get3A_332] {strides = array<i32>} : memref<64x128xf32, #tpu.memory_space<vmem>>, vector<1x16xf32>,
      %get3A_334 = vector.shape_cast %get3A_333 : vector<1x16xf32> to vector<16xf32>
      %add3A_335 = arith.constant 128 : i32
      %add3A_336 = arith.addi %add3A_335, %scan3A_260 : i32
      %swap3A_337 = arith.index_cast %add3A_336 : i32 to index
      %swap3A_338 = arith.constant 64 : index
      %swap3A_339 = tpu.vector_load %arg7[%swap3A_337, %swap3A_338] {strides = array<i32>} : memref<256x128xf32, #tpu.memory_space<vmem>>, vector<1x16xf32>,
      %swap3A_340 = vector.shape_cast %swap3A_339 : vector<1x16xf32> to vector<16xf32>
      %swap3A_341 = vector.shape_cast %get3A_334 : vector<16xf32> to vector<1x16xf32>
      tpu.vector_store %arg7[%swap3A_337, %swap3A_338], %swap3A_341 {add = true, strides = array<i32>} : memref<256x128xf32, #tpu.memory_space<vmem>>, vector<1x16xf32>,
      %add3A_342 = arith.constant 192 : i32
      %add3A_343 = arith.addi %add3A_342, %scan3A_260 : i32
      %swap3A_344 = arith.index_cast %add3A_343 : i32 to index
      %swap3A_345 = arith.constant 64 : index
      %swap3A_346 = tpu.vector_load %arg7[%swap3A_344, %swap3A_345] {strides = array<i32>} : memref<256x128xf32, #tpu.memory_space<vmem>>, vector<1x16xf32>,
      %swap3A_347 = vector.shape_cast %swap3A_346 : vector<1x16xf32> to vector<16xf32>
      %swap3A_348 = vector.shape_cast %get3A_334 : vector<16xf32> to vector<1x16xf32>
      tpu.vector_store %arg7[%swap3A_344, %swap3A_345], %swap3A_348 {add = true, strides = array<i32>} : memref<256x128xf32, #tpu.memory_space<vmem>>, vector<1x16xf32>,
      %get3A_349 = arith.index_cast %scan3A_260 : i32 to index
      %get3A_350 = arith.constant 80 : index
      %get3A_351 = tpu.vector_load %arg8[%get3A_349, %get3A_350] {strides = array<i32>} : memref<64x128xf32, #tpu.memory_space<vmem>>, vector<1x16xf32>,
      %get3A_352 = vector.shape_cast %get3A_351 : vector<1x16xf32> to vector<16xf32>
      %add3A_353 = arith.constant 128 : i32
      %add3A_354 = arith.addi %add3A_353, %scan3A_260 : i32
      %swap3A_355 = arith.index_cast %add3A_354 : i32 to index
      %swap3A_356 = arith.constant 80 : index
      %swap3A_357 = tpu.vector_load %arg7[%swap3A_355, %swap3A_356] {strides = array<i32>} : memref<256x128xf32, #tpu.memory_space<vmem>>, vector<1x16xf32>,
      %swap3A_358 = vector.shape_cast %swap3A_357 : vector<1x16xf32> to vector<16xf32>
      %swap3A_359 = vector.shape_cast %get3A_352 : vector<16xf32> to vector<1x16xf32>
      tpu.vector_store %arg7[%swap3A_355, %swap3A_356], %swap3A_359 {add = true, strides = array<i32>} : memref<256x128xf32, #tpu.memory_space<vmem>>, vector<1x16xf32>,
      %add3A_360 = arith.constant 192 : i32
      %add3A_361 = arith.addi %add3A_360, %scan3A_260 : i32
      %swap3A_362 = arith.index_cast %add3A_361 : i32 to index
      %swap3A_363 = arith.constant 80 : index
      %swap3A_364 = tpu.vector_load %arg7[%swap3A_362, %swap3A_363] {strides = array<i32>} : memref<256x128xf32, #tpu.memory_space<vmem>>, vector<1x16xf32>,
      %swap3A_365 = vector.shape_cast %swap3A_364 : vector<1x16xf32> to vector<16xf32>
      %swap3A_366 = vector.shape_cast %get3A_352 : vector<16xf32> to vector<1x16xf32>
      tpu.vector_store %arg7[%swap3A_362, %swap3A_363], %swap3A_366 {add = true, strides = array<i32>} : memref<256x128xf32, #tpu.memory_space<vmem>>, vector<1x16xf32>,
      %get3A_367 = arith.index_cast %scan3A_260 : i32 to index
      %get3A_368 = arith.constant 96 : index
      %get3A_369 = tpu.vector_load %arg8[%get3A_367, %get3A_368] {strides = array<i32>} : memref<64x128xf32, #tpu.memory_space<vmem>>, vector<1x16xf32>,
      %get3A_370 = vector.shape_cast %get3A_369 : vector<1x16xf32> to vector<16xf32>
      %add3A_371 = arith.constant 128 : i32
      %add3A_372 = arith.addi %add3A_371, %scan3A_260 : i32
      %swap3A_373 = arith.index_cast %add3A_372 : i32 to index
      %swap3A_374 = arith.constant 96 : index
      %swap3A_375 = tpu.vector_load %arg7[%swap3A_373, %swap3A_374] {strides = array<i32>} : memref<256x128xf32, #tpu.memory_space<vmem>>, vector<1x16xf32>,
      %swap3A_376 = vector.shape_cast %swap3A_375 : vector<1x16xf32> to vector<16xf32>
      %swap3A_377 = vector.shape_cast %get3A_370 : vector<16xf32> to vector<1x16xf32>
      tpu.vector_store %arg7[%swap3A_373, %swap3A_374], %swap3A_377 {add = true, strides = array<i32>} : memref<256x128xf32, #tpu.memory_space<vmem>>, vector<1x16xf32>,
      %add3A_378 = arith.constant 192 : i32
      %add3A_379 = arith.addi %add3A_378, %scan3A_260 : i32
      %swap3A_380 = arith.index_cast %add3A_379 : i32 to index
      %swap3A_381 = arith.constant 96 : index
      %swap3A_382 = tpu.vector_load %arg7[%swap3A_380, %swap3A_381] {strides = array<i32>} : memref<256x128xf32, #tpu.memory_space<vmem>>, vector<1x16xf32>,
      %swap3A_383 = vector.shape_cast %swap3A_382 : vector<1x16xf32> to vector<16xf32>
      %swap3A_384 = vector.shape_cast %get3A_370 : vector<16xf32> to vector<1x16xf32>
      tpu.vector_store %arg7[%swap3A_380, %swap3A_381], %swap3A_384 {add = true, strides = array<i32>} : memref<256x128xf32, #tpu.memory_space<vmem>>, vector<1x16xf32>,
      %get3A_385 = arith.index_cast %scan3A_260 : i32 to index
      %get3A_386 = arith.constant 112 : index
      %get3A_387 = tpu.vector_load %arg8[%get3A_385, %get3A_386] {strides = array<i32>} : memref<64x128xf32, #tpu.memory_space<vmem>>, vector<1x16xf32>,
      %get3A_388 = vector.shape_cast %get3A_387 : vector<1x16xf32> to vector<16xf32>
      %add3A_389 = arith.constant 128 : i32
      %add3A_390 = arith.addi %add3A_389, %scan3A_260 : i32
      %swap3A_391 = arith.index_cast %add3A_390 : i32 to index
      %swap3A_392 = arith.constant 112 : index
      %swap3A_393 = tpu.vector_load %arg7[%swap3A_391, %swap3A_392] {strides = array<i32>} : memref<256x128xf32, #tpu.memory_space<vmem>>, vector<1x16xf32>,
      %swap3A_394 = vector.shape_cast %swap3A_393 : vector<1x16xf32> to vector<16xf32>
      %swap3A_395 = vector.shape_cast %get3A_388 : vector<16xf32> to vector<1x16xf32>
      tpu.vector_store %arg7[%swap3A_391, %swap3A_392], %swap3A_395 {add = true, strides = array<i32>} : memref<256x128xf32, #tpu.memory_space<vmem>>, vector<1x16xf32>,
      %add3A_396 = arith.constant 192 : i32
      %add3A_397 = arith.addi %add3A_396, %scan3A_260 : i32
      %swap3A_398 = arith.index_cast %add3A_397 : i32 to index
      %swap3A_399 = arith.constant 112 : index
      %swap3A_400 = tpu.vector_load %arg7[%swap3A_398, %swap3A_399] {strides = array<i32>} : memref<256x128xf32, #tpu.memory_space<vmem>>, vector<1x16xf32>,
      %swap3A_401 = vector.shape_cast %swap3A_400 : vector<1x16xf32> to vector<16xf32>
      %swap3A_402 = vector.shape_cast %get3A_388 : vector<16xf32> to vector<1x16xf32>
      tpu.vector_store %arg7[%swap3A_398, %swap3A_399], %swap3A_402 {add = true, strides = array<i32>} : memref<256x128xf32, #tpu.memory_space<vmem>>, vector<1x16xf32>,
    }
    %scan3A_181 = arith.constant 64 : i32
    %dma_start3A_182 = arith.constant 2 : i32
    %dma_start3A_183 = arith.constant 128 : i32
    %dma_start3A_184 = arith.constant 0 : i32
    %dma_start3A_185 = tpu.memref_slice %arg7[%dma_start3A_183, %dma_start3A_184] : memref<256x128xf32, #tpu.memory_space<vmem>> -> memref<64x128xf32, #tpu.memory_space<vmem>>
    %dma_start3A_186 = arith.constant 0 : i32
    %dma_start3A_187 = tpu.memref_slice %arg5[%dma_start3A_182, %mul3A_2, %dma_start3A_186] : memref<4x2048x128xf32, #tpu.memory_space<hbm>> -> memref<1x64x128xf32, #tpu.memory_space<hbm>>
    %dma_start3A_188 = tpu.memref_squeeze %dma_start3A_187 : memref<1x64x128xf32, #tpu.memory_space<hbm>> -> memref<64x128xf32, #tpu.memory_space<hbm>>
    %dma_start3A_189 = arith.constant 0 : i32
    %dma_start3A_190 = tpu.memref_slice %arg5[%dma_start3A_182, %mul3A_2, %dma_start3A_189] : memref<4x2048x128xf32, #tpu.memory_space<hbm>> -> memref<1x64x128xf32, #tpu.memory_space<hbm>>
    %dma_start3A_191 = tpu.memref_squeeze %dma_start3A_190 : memref<1x64x128xf32, #tpu.memory_space<hbm>> -> memref<64x128xf32, #tpu.memory_space<hbm>>
    %dma_start3A_192 = arith.constant 128 : i32
    %dma_start3A_193 = arith.constant 0 : i32
    %dma_start3A_194 = tpu.memref_slice %arg7[%dma_start3A_192, %dma_start3A_193] : memref<256x128xf32, #tpu.memory_space<vmem>> -> memref<64x128xf32, #tpu.memory_space<vmem>>
    tpu.enqueue_dma source(%dma_start3A_194 : memref<64x128xf32, #tpu.memory_space<vmem>>) target(%dma_start3A_191 : memref<64x128xf32, #tpu.memory_space<hbm>>) target_semaphore(%arg13 : memref<!tpu.dma_semaphore, #tpu.memory_space<semaphore_mem>>)
    %dma_start3A_195 = arith.constant 3 : i32
    %dma_start3A_196 = arith.constant 192 : i32
    %dma_start3A_197 = arith.constant 0 : i32
    %dma_start3A_198 = tpu.memref_slice %arg7[%dma_start3A_196, %dma_start3A_197] : memref<256x128xf32, #tpu.memory_space<vmem>> -> memref<64x128xf32, #tpu.memory_space<vmem>>
    %dma_start3A_199 = arith.constant 0 : i32
    %dma_start3A_200 = tpu.memref_slice %arg5[%dma_start3A_195, %mul3A_2, %dma_start3A_199] : memref<4x2048x128xf32, #tpu.memory_space<hbm>> -> memref<1x64x128xf32, #tpu.memory_space<hbm>>
    %dma_start3A_201 = tpu.memref_squeeze %dma_start3A_200 : memref<1x64x128xf32, #tpu.memory_space<hbm>> -> memref<64x128xf32, #tpu.memory_space<hbm>>
    %dma_start3A_202 = arith.constant 0 : i32
    %dma_start3A_203 = tpu.memref_slice %arg5[%dma_start3A_195, %mul3A_2, %dma_start3A_202] : memref<4x2048x128xf32, #tpu.memory_space<hbm>> -> memref<1x64x128xf32, #tpu.memory_space<hbm>>
    %dma_start3A_204 = tpu.memref_squeeze %dma_start3A_203 : memref<1x64x128xf32, #tpu.memory_space<hbm>> -> memref<64x128xf32, #tpu.memory_space<hbm>>
    %dma_start3A_205 = arith.constant 192 : i32
    %dma_start3A_206 = arith.constant 0 : i32
    %dma_start3A_207 = tpu.memref_slice %arg7[%dma_start3A_205, %dma_start3A_206] : memref<256x128xf32, #tpu.memory_space<vmem>> -> memref<64x128xf32, #tpu.memory_space<vmem>>
    tpu.enqueue_dma source(%dma_start3A_207 : memref<64x128xf32, #tpu.memory_space<vmem>>) target(%dma_start3A_204 : memref<64x128xf32, #tpu.memory_space<hbm>>) target_semaphore(%arg13 : memref<!tpu.dma_semaphore, #tpu.memory_space<semaphore_mem>>)
    %dma_wait3A_208 = arith.constant 0 : i32
    %dma_wait3A_209 = arith.constant 0 : i32
    %dma_wait3A_210 = arith.constant 0 : i32
    %dma_wait3A_211 = tpu.memref_slice %arg7[%dma_wait3A_209, %dma_wait3A_210] : memref<256x128xf32, #tpu.memory_space<vmem>> -> memref<64x128xf32, #tpu.memory_space<vmem>>
    %dma_wait3A_212 = arith.constant 0 : i32
    %dma_wait3A_213 = tpu.memref_slice %arg5[%dma_wait3A_208, %mul3A_2, %dma_wait3A_212] : memref<4x2048x128xf32, #tpu.memory_space<hbm>> -> memref<1x64x128xf32, #tpu.memory_space<hbm>>
    %dma_wait3A_214 = tpu.memref_squeeze %dma_wait3A_213 : memref<1x64x128xf32, #tpu.memory_space<hbm>> -> memref<64x128xf32, #tpu.memory_space<hbm>>
    %dma_wait3A_215 = arith.constant 0 : i32
    %dma_wait3A_216 = tpu.memref_slice %arg5[%dma_wait3A_208, %mul3A_2, %dma_wait3A_215] : memref<4x2048x128xf32, #tpu.memory_space<hbm>> -> memref<1x64x128xf32, #tpu.memory_space<hbm>>
    %dma_wait3A_217 = tpu.memref_squeeze %dma_wait3A_216 : memref<1x64x128xf32, #tpu.memory_space<hbm>> -> memref<64x128xf32, #tpu.memory_space<hbm>>
    %dma_wait3A_218 = arith.constant 0 : i32
    %dma_wait3A_219 = arith.constant 0 : i32
    %dma_wait3A_220 = tpu.memref_slice %arg7[%dma_wait3A_218, %dma_wait3A_219] : memref<256x128xf32, #tpu.memory_space<vmem>> -> memref<64x128xf32, #tpu.memory_space<vmem>>
    tpu.wait_dma2 semaphore(%arg13 : memref<!tpu.dma_semaphore, #tpu.memory_space<semaphore_mem>>) src(%dma_wait3A_220 : memref<64x128xf32, #tpu.memory_space<vmem>>) dst(%dma_wait3A_217 : memref<64x128xf32, #tpu.memory_space<hbm>>)
    %dma_wait3A_221 = arith.constant 1 : i32
    %dma_wait3A_222 = arith.constant 64 : i32
    %dma_wait3A_223 = arith.constant 0 : i32
    %dma_wait3A_224 = tpu.memref_slice %arg7[%dma_wait3A_222, %dma_wait3A_223] : memref<256x128xf32, #tpu.memory_space<vmem>> -> memref<64x128xf32, #tpu.memory_space<vmem>>
    %dma_wait3A_225 = arith.constant 0 : i32
    %dma_wait3A_226 = tpu.memref_slice %arg5[%dma_wait3A_221, %mul3A_2, %dma_wait3A_225] : memref<4x2048x128xf32, #tpu.memory_space<hbm>> -> memref<1x64x128xf32, #tpu.memory_space<hbm>>
    %dma_wait3A_227 = tpu.memref_squeeze %dma_wait3A_226 : memref<1x64x128xf32, #tpu.memory_space<hbm>> -> memref<64x128xf32, #tpu.memory_space<hbm>>
    %dma_wait3A_228 = arith.constant 0 : i32
    %dma_wait3A_229 = tpu.memref_slice %arg5[%dma_wait3A_221, %mul3A_2, %dma_wait3A_228] : memref<4x2048x128xf32, #tpu.memory_space<hbm>> -> memref<1x64x128xf32, #tpu.memory_space<hbm>>
    %dma_wait3A_230 = tpu.memref_squeeze %dma_wait3A_229 : memref<1x64x128xf32, #tpu.memory_space<hbm>> -> memref<64x128xf32, #tpu.memory_space<hbm>>
    %dma_wait3A_231 = arith.constant 64 : i32
    %dma_wait3A_232 = arith.constant 0 : i32
    %dma_wait3A_233 = tpu.memref_slice %arg7[%dma_wait3A_231, %dma_wait3A_232] : memref<256x128xf32, #tpu.memory_space<vmem>> -> memref<64x128xf32, #tpu.memory_space<vmem>>
    tpu.wait_dma2 semaphore(%arg13 : memref<!tpu.dma_semaphore, #tpu.memory_space<semaphore_mem>>) src(%dma_wait3A_233 : memref<64x128xf32, #tpu.memory_space<vmem>>) dst(%dma_wait3A_230 : memref<64x128xf32, #tpu.memory_space<hbm>>)
    %dma_wait3A_234 = arith.constant 2 : i32
    %dma_wait3A_235 = arith.constant 128 : i32
    %dma_wait3A_236 = arith.constant 0 : i32
    %dma_wait3A_237 = tpu.memref_slice %arg7[%dma_wait3A_235, %dma_wait3A_236] : memref<256x128xf32, #tpu.memory_space<vmem>> -> memref<64x128xf32, #tpu.memory_space<vmem>>
    %dma_wait3A_238 = arith.constant 0 : i32
    %dma_wait3A_239 = tpu.memref_slice %arg5[%dma_wait3A_234, %mul3A_2, %dma_wait3A_238] : memref<4x2048x128xf32, #tpu.memory_space<hbm>> -> memref<1x64x128xf32, #tpu.memory_space<hbm>>
    %dma_wait3A_240 = tpu.memref_squeeze %dma_wait3A_239 : memref<1x64x128xf32, #tpu.memory_space<hbm>> -> memref<64x128xf32, #tpu.memory_space<hbm>>
    %dma_wait3A_241 = arith.constant 0 : i32
    %dma_wait3A_242 = tpu.memref_slice %arg5[%dma_wait3A_234, %mul3A_2, %dma_wait3A_241] : memref<4x2048x128xf32, #tpu.memory_space<hbm>> -> memref<1x64x128xf32, #tpu.memory_space<hbm>>
    %dma_wait3A_243 = tpu.memref_squeeze %dma_wait3A_242 : memref<1x64x128xf32, #tpu.memory_space<hbm>> -> memref<64x128xf32, #tpu.memory_space<hbm>>
    %dma_wait3A_244 = arith.constant 128 : i32
    %dma_wait3A_245 = arith.constant 0 : i32
    %dma_wait3A_246 = tpu.memref_slice %arg7[%dma_wait3A_244, %dma_wait3A_245] : memref<256x128xf32, #tpu.memory_space<vmem>> -> memref<64x128xf32, #tpu.memory_space<vmem>>
    tpu.wait_dma2 semaphore(%arg13 : memref<!tpu.dma_semaphore, #tpu.memory_space<semaphore_mem>>) src(%dma_wait3A_246 : memref<64x128xf32, #tpu.memory_space<vmem>>) dst(%dma_wait3A_243 : memref<64x128xf32, #tpu.memory_space<hbm>>)
    %dma_wait3A_247 = arith.constant 3 : i32
    %dma_wait3A_248 = arith.constant 192 : i32
    %dma_wait3A_249 = arith.constant 0 : i32
    %dma_wait3A_250 = tpu.memref_slice %arg7[%dma_wait3A_248, %dma_wait3A_249] : memref<256x128xf32, #tpu.memory_space<vmem>> -> memref<64x128xf32, #tpu.memory_space<vmem>>
    %dma_wait3A_251 = arith.constant 0 : i32
    %dma_wait3A_252 = tpu.memref_slice %arg5[%dma_wait3A_247, %mul3A_2, %dma_wait3A_251] : memref<4x2048x128xf32, #tpu.memory_space<hbm>> -> memref<1x64x128xf32, #tpu.memory_space<hbm>>
    %dma_wait3A_253 = tpu.memref_squeeze %dma_wait3A_252 : memref<1x64x128xf32, #tpu.memory_space<hbm>> -> memref<64x128xf32, #tpu.memory_space<hbm>>
    %dma_wait3A_254 = arith.constant 0 : i32
    %dma_wait3A_255 = tpu.memref_slice %arg5[%dma_wait3A_247, %mul3A_2, %dma_wait3A_254] : memref<4x2048x128xf32, #tpu.memory_space<hbm>> -> memref<1x64x128xf32, #tpu.memory_space<hbm>>
    %dma_wait3A_256 = tpu.memref_squeeze %dma_wait3A_255 : memref<1x64x128xf32, #tpu.memory_space<hbm>> -> memref<64x128xf32, #tpu.memory_space<hbm>>
    %dma_wait3A_257 = arith.constant 192 : i32
    %dma_wait3A_258 = arith.constant 0 : i32
    %dma_wait3A_259 = tpu.memref_slice %arg7[%dma_wait3A_257, %dma_wait3A_258] : memref<256x128xf32, #tpu.memory_space<vmem>> -> memref<64x128xf32, #tpu.memory_space<vmem>>
    tpu.wait_dma2 semaphore(%arg13 : memref<!tpu.dma_semaphore, #tpu.memory_space<semaphore_mem>>) src(%dma_wait3A_259 : memref<64x128xf32, #tpu.memory_space<vmem>>) dst(%dma_wait3A_256 : memref<64x128xf32, #tpu.memory_space<hbm>>)
    return
  }
}

</mosaic_0001>

<sc_bundles>
// kernel: _embed.3.cloned.1.call-start
scs
__scs_entry_jumppad:
0x0: {  	(pc) =	sbr.rel $0x88, $3  }
0x1: {  	(tag) =	ssettag $0x0;
	lr =	simm.s32 $0x1  }
0x2: {  	[smem:$0x3F9E] =	sst lr;
	_ =	strace $0xD0000000  }
0x3: {  	_ = 	snop  }
0x4: {  	_ = 	snop  }
0x5: {  	_ = 	snop  }
0x6: {  	_ = 	snop  }
0x7: {  	_ = 	snop  }
__scs_overlays_trampoline_lowered:
0x8: {  	[smem:$0x3FAD] =	sst s0  }
0x9: {  	[smem:$0x3FAE] =	sst s1  }
0xa: {  	[smem:$0x3FAF] =	sst s2  }
0xb: {  	[smem:$0x3FB0] =	sst s3  }
0xc: {  	[smem:$0x3FB1] =	sst s4  }
0xd: {  	[smem:$0x3FB2] =	sst s5  }
0xe: {  	[smem:$0x3FB3] =	sst s6  }
0xf: {  	[smem:$0x3FB4] =	sst s7  }
0x10: {  	[smem:$0x3FB5] =	sst s8  }
0x11: {  	[smem:$0x3FB6] =	sst s9;
	s0 =	simm.s32 @!p0 $0x0  }
0x12: {  	s1 =	sld [smem:$0x3F9C];
	s0 =	simm.s32 @p0 $0x1  }
0x13: {  	[smem:$0x3FB7] =	sst s0;
	s0 =	simm.s32 @!p1 $0x0  }
0x14: {  	s2 =	sld [smem:$0x3F9B];
	s0 =	simm.s32 @p1 $0x1  }
0x15: {  	[smem:$0x3FB8] =	sst s0;
	s0 =	simm.s32 @!p2 $0x0  }
0x16: {  	s3 =	sld [smem:$0x3FDB];
	s0 =	simm.s32 @p2 $0x1  }
0x17: {  	s4 =	simm.s32 $0x1BF5;
	[smem:$0x3FBA] =	sst s0  }
0x18: {  	s0 =	sld [smem:$0x3F9D];
	_ =	swait.ge [sflag:s4], $0x0  }
0x19: {  	s7 =	sld [smem:$0x3F9E]  }
0x1a: {  	s8 =	sadd.s32 $0xFFFFE003, lr  }
0x1b: {  	s9 =	sadd.s32 $0xFFFFFEF7, lr;
	s5 =	simm.s32 $0xFFFFFFFF;
	p2 =	slt.u32 s8, $0xFFFFF086  }
0x1c: {  	p1 =	slt.u32 s9, $0xF7A;
	s5 =	simm.s32 @!p2 $0x0  }
0x1d: {  	s5 =	simm.s32 @p1 $0x1;
	p0 =	seq.s32 s7, s2  }
0x1e: {  	s7 =	smul.u32 @!p0 $0xF7A, s2;
	p2 =	seq.s32 @!p0 s5, $0x0  }
0x1f: {  	s9 =	smul.u32 $0xF7A, s1;
	s8 =	simm.s32 @!p0 $0x1BF5;
	p2 =	por !p2, p0  }
0x20: {  	[sflag:s8] =	ssyncset.s32 @!p0 $0xFFFFF086;
	s6 =	sadd.s32 @!p0 s3, s7;
	s7 =	simm.s32 @!p0 $0x108  }
0x21: {  	s3 =	sadd.s32 s3, s9;
	s6 =	sadd.s32 @!p0 $0x88, s6;
	s7 =	simm.s32 @p2 $0x1082  }
0x22: {  	[simem:s7], [sflag:s8] =	dma.local @!p0 [hbm:s6], $0xF7A  }
0x23: {  	s9 =	sor.u32 $0xD0000000, s2;
	s6 =	simm.s32 $0x108;
	_ =	swait.ge @!p0 [sflag:s8], $0x0  }
0x24: {  	s3 =	sadd.s32 $0x88, s3;
	s6 =	simm.s32 @!p1 $0x1082;
	[sflag:s4] =	ssyncset.s32 $0xFFFFF086  }
0x25: {  	[simem:s6], [sflag:s4] =	dma.local [hbm:s3], $0xF7A  }
0x26: {  	[smem:$0x3F9E] =	sst s1;
	(tag) =	ssettag s2;
	_ =	strace s9  }
0x27: {  	s1 =	sld [smem:$0x3FAE]  }
0x28: {  	s2 =	sld [smem:$0x3FAF]  }
0x29: {  	s4 =	sld [smem:$0x3FB1]  }
0x2a: {  	p0 =	seq.s32 s5, $0x0;
	s5 =	sld [smem:$0x3FB2]  }
0x2b: {  	s6 =	sld [smem:$0x3FB3]  }
0x2c: {  	s7 =	sld [smem:$0x3FB4]  }
0x2d: {  	s3 =	simm.s32 $0x108;
	s8 =	sld [smem:$0x3FB5]  }
0x2e: {  	s3 =	simm.s32 @!p0 $0x1082;
	s9 =	sld [smem:$0x3FB6]  }
0x2f: {  	lr =	sadd.s32 s0, s3;
	s0 =	sld [smem:$0x3FAD]  }
0x30: {  	s3 =	sld [smem:$0x3FB0]  }
0x31: {  	[smem:$0x3FB9] =	sst s10  }
0x32: {  	s10 =	sld [smem:$0x3FB7];
	_ =	sdelay $0x3  }
0x33: {  	p0 =	seq.s32 s10, $0x1;
	s10 =	sld [smem:$0x3FB9];
	_ =	sdelay $0x3  }
0x34: {  	[smem:$0x3FB9] =	sst s10  }
0x35: {  	s10 =	sld [smem:$0x3FB8];
	_ =	sdelay $0x3  }
0x36: {  	p1 =	seq.s32 s10, $0x1;
	s10 =	sld [smem:$0x3FB9];
	_ =	sdelay $0x3  }
0x37: {  	[smem:$0x3FB9] =	sst s10  }
0x38: {  	s10 =	sld [smem:$0x3FBA]  }
0x39: {  	_ = 	snop;
	(pc) =	sbr.ind lr, $3  }
0x3a: {  	_ = 	snop  }
0x3b: {  	_ = 	snop  }
0x3c: {  	p2 =	seq.s32 s10, $0x1;
	s10 =	sld [smem:$0x3FB9]  }
0x3d: {  	_ =	shalt  }
0x3e: {  	_ =	shalt  }
0x3f: {  	_ =	shalt  }
0x40: {  	_ =	shalt  }
0x41: {  	_ =	shalt  }
0x42: {  	_ =	shalt  }
0x43: {  	_ =	shalt  }
0x44: {  	_ =	shalt  }
0x45: {  	_ =	shalt  }
0x46: {  	_ =	shalt  }
0x47: {  	_ =	shalt  }
0x48: {  	_ =	shalt  }
0x49: {  	_ =	shalt  }
0x4a: {  	_ =	shalt  }
0x4b: {  	_ =	shalt  }
0x4c: {  	_ =	shalt  }
0x4d: {  	_ =	shalt  }
0x4e: {  	_ =	shalt  }
0x4f: {  	_ =	shalt  }
0x50: {  	_ =	shalt  }
0x51: {  	_ =	shalt  }
0x52: {  	_ =	shalt  }
0x53: {  	_ =	shalt  }
0x54: {  	_ =	shalt  }
0x55: {  	_ =	shalt  }
0x56: {  	_ =	shalt  }
0x57: {  	_ =	shalt  }
0x58: {  	_ =	shalt  }
0x59: {  	_ =	shalt  }
0x5a: {  	_ =	shalt  }
0x5b: {  	_ =	shalt  }
0x5c: {  	_ =	shalt  }
0x5d: {  	_ =	shalt  }
0x5e: {  	_ =	shalt  }
0x5f: {  	_ =	shalt  }
0x60: {  	_ =	shalt  }
0x61: {  	_ =	shalt  }
0x62: {  	_ =	shalt  }
0x63: {  	_ =	shalt  }
0x64: {  	_ =	shalt  }
0x65: {  	_ =	shalt  }
0x66: {  	_ =	shalt  }
0x67: {  	_ =	shalt  }
0x68: {  	_ =	shalt  }
0x69: {  	_ =	shalt  }
0x6a: {  	_ =	shalt  }
0x6b: {  	_ =	shalt  }
0x6c: {  	_ =	shalt  }
0x6d: {  	_ =	shalt  }
0x6e: {  	_ =	shalt  }
0x6f: {  	_ =	shalt  }
0x70: {  	_ =	shalt  }
0x71: {  	_ =	shalt  }
0x72: {  	_ =	shalt  }
0x73: {  	_ =	shalt  }
0x74: {  	_ =	shalt  }
0x75: {  	_ =	shalt  }
0x76: {  	_ =	shalt  }
0x77: {  	_ =	shalt  }
0x78: {  	_ =	shalt  }
0x79: {  	_ =	shalt  }
0x7a: {  	_ =	shalt  }
0x7b: {  	_ =	shalt  }
0x7c: {  	_ =	shalt  }
0x7d: {  	_ =	shalt  }
0x7e: {  	_ =	shalt  }
0x7f: {  	_ =	shalt  }
0x80: {  	_ =	shalt  }
0x81: {  	_ =	shalt  }
0x82: {  	_ =	shalt  }
0x83: {  	_ =	shalt  }
0x84: {  	_ =	shalt  }
0x85: {  	_ =	shalt  }
0x86: {  	_ =	shalt  }
0x87: {  	_ =	shalt  }
.Lfunc_end0:
.L_simem_size_0:
called_computation_lowered:
.L_overlay_start_0:
0x88: {  	s2 =	sld [smem:$0x3FD9]  }
0x89: {  	s3 =	sld [smem:$0x3FFE];
	_ =	sdelay $0x1  }
0x8a: {  	s1 =	srdreg.scid  }
0x8b: {  	s0 =	sand.u32 $0x1, s1  }
0x8c: {  	s18 =	sshll.u32 s0, $0xA;
	s2 =	sadd.s32 s3, s2  }
0x8d: {  	s2 =	sadd.s32 s2, s18  }
0x8e: {  	[smem:$0x3FC5] =	sst s2  }
0x8f: {  	_ = 	snop  }
0x90: {  	s2 =	sld [smem:$0x3FC9]  }
0x91: {  	s19 =	sld [smem:$0x3FC8]  }
0x92: {  	s4 =	sld [smem:$0x3FC7]  }
0x93: {  	s5 =	sld [smem:$0x3FD0];
	(tm) =	ssettm $0x1  }
0x94: {  	s6 =	sld [smem:$0x3FFB];
	_ =	sdelay $0x3  }
0x95: {  	_ =	strace s6  }
0x96: {  	s6 =	sld [smem:$0x3FFC];
	_ =	sdelay $0x3  }
0x97: {  	_ =	strace s6  }
0x98: {  	s6 =	sld [smem:$0x3FFD];
	_ =	sdelay $0x3  }
0x99: {  	_ =	strace s6  }
0x9a: {  	_ =	strace $0x8FFFFFFF  }
0x9b: {  	s20 =	sld [smem:$0x3FDB];
	_ =	sdelay $0x1  }
0x9c: {  	s7 =	simm.s32 $_scs_section_size  }
0x9d: {  	s8 =	simm.s32 $_size__tile_overlayer_lowered;
	s9 =	simm.s32 $_tile_overlayer_lowered  }
0x9e: {  	s23 =	simm.s32 $0x1BFF;
	s22 =	sshll.u32 s9, $0x1;
	s6 =	sadd.s32 s7, s20  }
0x9f: {  	s10 =	simm.s32 $0x0;
	s21 =	sshll.u32 s8, $0x1;
	s8 =	sadd.s32 s22, s6  }
0xa0: {  	[timem:s10], [sflag:s23] =	dma.local [hbm:s8], s21  }
0xa1: {  	_ =	swait.ge [sflag:s23], s21  }
0xa2: {  	s7 =	ssub.s32 $0x0, s21;
	[sflag:s23] =	ssyncset.done $0x0  }
0xa3: {  	[sflag:s23] =	ssyncadd.s32 s7;
	_ =	sdelay $0x1  }
0xa4: {  	s24 =	simm.s32 $0x1B8B  }
0xa5: {  	_ =	swait.ge [sflag:s24], $0x1  }
0xa6: {  	[sflag:s24] =	ssyncset.done $0x0  }
0xa7: {  	s25 =	simm.s32 $0x1B8E;
	[sflag:s24] =	ssyncadd.s32 $0xFFFFFFFF  }
0xa8: {  	s26 =	simm.s32 $execute0_lowered;
	[smem:$0x3FD2] =	sst s25  }
0xa9: {  	s7 =	sshll.u32 s26, $0x1;
	_ =	strace $0x80000046;
	[dreg:$0x1] =	wrdreg $0xFFFFFFFF  }
0xaa: {  	s28 =	simm.s32 $_size_execute0_lowered;
	s6 =	sadd.s32 s6, s7;
	[dreg:$0x0] =	wrdreg $0x0  }
0xab: {  	s7 =	sshll.u32 s28, $0x1;
	[dreg:$0x2] =	wrdreg s6  }
0xac: {  	[dreg:$0x3] =	wrdreg s7  }
0xad: {  	[dreg:$0x4] =	wrdreg $0xC0  }
0xae: {  	_ =	task [dreg:s10], $0x5FFFF  }
0xaf: {  	[dreg:$0x1] =	wrdreg $0xFFFFFFFF  }
0xb0: {  	[dreg:$0x0] =	wrdreg $0x60  }
0xb1: {  	[dreg:$0x2] =	wrdreg s2  }
0xb2: {  	[dreg:$0x3] =	wrdreg s19  }
0xb3: {  	[dreg:$0x4] =	wrdreg s4  }
0xb4: {  	[dreg:$0x5] =	wrdreg s5  }
0xb5: {  	[dreg:$0x6] =	wrdreg $0x9  }
0xb6: {  	_ =	task.clear_ibuf [dreg:s10], $0x7FFFF;
	_ =	strace $0x90000046  }
0xb7: {  	s29 =	simm.s32 $0x9;
	_ =	strace $0x80000048  }
0xb8: {  	_ =	swait.ge [sflag:s29], $0x1  }
0xb9: {  	[sflag:s29] =	ssyncadd.s32 $0xFFFFFFFF  }
0xba: {  	_ =	strace $0x90000048  }
0xbb: {  	_ =	sfence  }
0xbc: {  	s30 =	sld [smem:$0x0];
	_ =	sdelay $0x2  }
0xbd: {  	s31 =	sshll.u32 s1, $0xD;
	s1 =	sshrl.u32 s1, $0x2  }
0xbe: {  	s3 =	sand.u32 $0x4000, s31;
	s1 =	sadd.s32 s1, s30  }
0xbf: {  	s0 =	sor.u32 s3, s0;
	s1 =	sshll.u32 s1, $0x11  }
0xc0: {  	s0 =	sor.u32 s1, s0  }
0xc1: {  	s0 =	sadd.s32 $0x8F2B, s0  }
0xc2: {  	[sflag:s0] =	ssyncadd.remote.s32 $0x1  }
0xc3: {  	_ =	sfence.sel $0xFFFF  }
0xc4: {  	[dreg:$0x0] =	wrdreg $0xFFFFFFFF;
	(pc) =	sbr.abs _section_cstart, $3  }
0xc5: {  	[dreg:$0x1] =	wrdreg $0xFFFFFFFF  }
0xc6: {  	_ =	task.clear_ibuf [dreg:s10], $0x2FFFF;
	_ =	strace $0x9FFFFFFF  }
0xc7: {  	(tm) =	ssettm $0x7FFFFFFF  }
tec
execute0_lowered:
.L_overlay_start_1:
0x0: {  	(tag) =	ssettag $0x1  }
0x1: {  	s8 =	rddreg [dreg:$0x0]  }
0x2: {  	s1 =	rddreg [dreg:$0x1];
	s2 =	srdreg.scid  }
0x3: {  	s4 =	rddreg [dreg:$0x2];
	s0 =	stileid.u32  }
0x4: {  	s9 =	rddreg [dreg:$0x3];
	s14 =	simm.s32 $0x8100;
	s15 =	simm.s32 $0x40  }
0x5: {  	s16 =	simm.s32 $0x80;
	s17 =	simm.s32 $0xC0;
	s18 =	simm.s32 $0x1  }
0x6: {  	s19 =	simm.s32 $0x100;
	s20 =	simm.s32 $0x4100;
	s21 =	simm.s32 $0x2  }
0x7: {  	s22 =	simm.s32 $0x3;
	s23 =	simm.s32 $0x2100;
	s24 =	simm.s32 $0x4  }
0x8: {  	s28 =	simm.s32 $0x0;
	s5 =	sand.u32 $0x1, s2;
	s3 =	sshll.u32 s0, $0x7  }
0x9: {  	s2 =	rddreg [dreg:$0x4];
	s6 =	sshll.u32 s5, $0x6;
	s5 =	ssub.s32 $0x2, s5  }
0xa: {  	s7 =	sor.u32 s6, s3;
	s3 =	simm.s32 $0x0;
	s11 =	sshrl.u32 s5, $0x1  }
0xb: {  	s10 =	sshll.u32 s7, $0x2;
	[smem:$0x7FF] =	sst s3;
	s13 =	ssub.s32 s5, s11  }
0xc: {  	s26 =	sshll.u32 s7, $0x4;
	s12 =	sand.u32 $0x1E00, s10;
	_ =	strace $0x80000047  }
0xd: {  	s4 =	sadd.s32 s4, s26;
	s9 =	sadd.s32 s9, s26;
	s13 =	smax.u32 s13, $0x1  }
0xe: {  	s26 =	simm.s32 $0x5;
	s25 =	sor.u32 s6, s12;
	s6 =	sor.u32 s6, s10  }
0xf: {  	s10 =	sadd.s32 $0x8000, s9;
	s11 =	sadd.s32 $0x10000, s9;
	s12 =	sadd.s32 $0x18000, s9  }
0x10: {  	s5 =	sshrl.u32 s25, $0x3;
	s29 =	sshrl.u32 s6, $0x3;
	s25 =	simm.s32 $0x6100  }
0x11: {  	s5 =	sadd.s32 s8, s5;
	s30 =	sor.u32 $0x20, s29;
	s31 =	sor.u32 $0x30, s29  }
0x12: {  	s6 =	sadd.s32 $0x10, s5;
	s7 =	sadd.s32 s8, s30;
	s8 =	sadd.s32 s8, s31  }
.LBB2_1:
0x13: {  	[tilespmem:s14], [sflag:$0x2] =	stream.linear.gather [hbm4b:s4+s3], $0x2000, $0x38;
	[tilespmem:$0xA100] =	vst v63  }
0x14: {  	_ = 	snop  }
0x15: {  	[tilespmem:s3], [sflag:$0x1] =	stream.linear.gather [hbm4b:s5+s3], $0x40, $0x38;
	[tilespmem:$0xA100] =	vst v63  }
0x16: {  	_ = 	snop  }
0x17: {  	[tilespmem:s15], [sflag:$0x1] =	stream.linear.gather [hbm4b:s6+s3], $0x40, $0x38;
	[tilespmem:$0xA100] =	vst v63  }
0x18: {  	_ = 	snop  }
0x19: {  	[tilespmem:s16], [sflag:$0x1] =	stream.linear.gather [hbm4b:s7+s3], $0x40, $0x38;
	[tilespmem:$0xA100] =	vst v63  }
0x1a: {  	_ = 	snop  }
0x1b: {  	[tilespmem:s17], [sflag:$0x1] =	stream.linear.gather [hbm4b:s8+s3], $0x40, $0x38;
	[tilespmem:$0xA100] =	vst v63  }
0x1c: {  	_ =	swait.ge [sflag:s18], $0x40  }
0x1d: {  	[sflag:s18] =	ssyncset.done $0x0  }
0x1e: {  	[sflag:s18] =	ssyncadd.s32 $0xFFFFFFC0  }
0x1f: {  	_ =	swait.ge [sflag:s18], $0x40  }
0x20: {  	[sflag:s18] =	ssyncset.done $0x0  }
0x21: {  	[sflag:s18] =	ssyncadd.s32 $0xFFFFFFC0  }
0x22: {  	[tilespmem:s19], [sflag:$0x3] =	stream.indirect.gather [hbm4b:s1+s16], $0x80, s3, s16, $0xb8;
	[tilespmem:$0xA100] =	vst v63  }
0x23: {  	_ =	swait.ge [sflag:s18], $0x40  }
0x24: {  	[sflag:s18] =	ssyncset.done $0x0  }
0x25: {  	[sflag:s18] =	ssyncadd.s32 $0xFFFFFFC0  }
0x26: {  	_ =	swait.ge [sflag:s18], $0x40  }
0x27: {  	[sflag:s18] =	ssyncset.done $0x0  }
0x28: {  	[sflag:s18] =	ssyncadd.s32 $0xFFFFFFC0  }
0x29: {  	[tilespmem:s20], [sflag:$0x4] =	stream.indirect.gather [hbm4b:s1+s16], $0x80, s16, s16, $0xb8;
	[tilespmem:$0xA100] =	vst v63  }
0x2a: {  	_ =	swait.ge [sflag:s21], $0x2000  }
0x2b: {  	[sflag:s21] =	ssyncset.done $0x0  }
0x2c: {  	[sflag:s21] =	ssyncadd.s32 $0xFFFFE000  }
0x2d: {  	_ =	swait.ge [sflag:s22], $0x4000  }
0x2e: {  	[sflag:s22] =	ssyncset.done $0x0  }
0x2f: {  	s29 =	simm.s32 $0x0;
	s30 =	simm.s32 $0x200;
	[sflag:s22] =	ssyncadd.s32 $0xFFFFC000  }
.LBB2_2:
0x30: {  	p0 =	sne.s32 s30, $0x7E00;
	v0 =	vld [tilespmem:s29+$0x8170]  }
0x31: {  	v1 =	vld [tilespmem:s29+$0x8100]  }
0x32: {  	v2 =	vld [tilespmem:s29+$0x8110]  }
0x33: {  	v3 =	vld [tilespmem:s29+$0x8120]  }
0x34: {  	v4 =	vld [tilespmem:s29+$0x8130]  }
0x35: {  	[tilespmem:s29+$0x2170] =	vst.add.f32.msk $0xffff, v0  }
0x36: {  	v5 =	vld [tilespmem:s29+$0x8140]  }
0x37: {  	v6 =	vld [tilespmem:s29+$0x8150]  }
0x38: {  	v7 =	vld [tilespmem:s29+$0x8160]  }
0x39: {  	[tilespmem:s29+$0x100] =	vst.add.f32.msk $0xffff, v1  }
0x3a: {  	[tilespmem:s29+$0x2100] =	vst.add.f32.msk $0xffff, v1  }
0x3b: {  	[tilespmem:s29+$0x110] =	vst.add.f32.msk $0xffff, v2  }
0x3c: {  	[tilespmem:s29+$0x2110] =	vst.add.f32.msk $0xffff, v2  }
0x3d: {  	[tilespmem:s29+$0x120] =	vst.add.f32.msk $0xffff, v3  }
0x3e: {  	[tilespmem:s29+$0x2120] =	vst.add.f32.msk $0xffff, v3  }
0x3f: {  	[tilespmem:s29+$0x130] =	vst.add.f32.msk $0xffff, v4  }
0x40: {  	[tilespmem:s29+$0x2130] =	vst.add.f32.msk $0xffff, v4  }
0x41: {  	[tilespmem:s29+$0x140] =	vst.add.f32.msk $0xffff, v5  }
0x42: {  	[tilespmem:s29+$0x2140] =	vst.add.f32.msk $0xffff, v5  }
.Ltmp0:
0x43: {  	[tilespmem:s29+$0x150] =	vst.add.f32.msk $0xffff, v6;
	(pc) =	sbr.rel @p0 .LBB2_2-.Ltmp0, $4  }
0x44: {  	[tilespmem:s29+$0x2150] =	vst.add.f32.msk $0xffff, v6  }
0x45: {  	[tilespmem:s29+$0x160] =	vst.add.f32.msk $0xffff, v7  }
0x46: {  	[tilespmem:s29+$0x2160] =	vst.add.f32.msk $0xffff, v7  }
0x47: {  	[tilespmem:s29+$0x170] =	vst.add.f32.msk $0xffff, v0;
	s29 =	sshra.s32 s30, $0x2;
	s30 =	sadd.s32 $0x200, s30  }
0x48: {  	v0 =	vld [tilespmem:s29+$0x8170]  }
0x49: {  	v1 =	vld [tilespmem:s29+$0x8100]  }
0x4a: {  	v2 =	vld [tilespmem:s29+$0x8110]  }
0x4b: {  	v3 =	vld [tilespmem:s29+$0x8120]  }
0x4c: {  	v4 =	vld [tilespmem:s29+$0x8130]  }
0x4d: {  	v5 =	vld [tilespmem:s29+$0x8140]  }
0x4e: {  	v6 =	vld [tilespmem:s29+$0x8150]  }
0x4f: {  	v7 =	vld [tilespmem:s29+$0x8160]  }
0x50: {  	[tilespmem:s29+$0x2170] =	vst.add.f32.msk $0xffff, v0  }
0x51: {  	[tilespmem:s29+$0x100] =	vst.add.f32.msk $0xffff, v1  }
0x52: {  	[tilespmem:s29+$0x2100] =	vst.add.f32.msk $0xffff, v1  }
0x53: {  	[tilespmem:s29+$0x110] =	vst.add.f32.msk $0xffff, v2  }
0x54: {  	[tilespmem:s29+$0x2110] =	vst.add.f32.msk $0xffff, v2  }
0x55: {  	[tilespmem:s29+$0x120] =	vst.add.f32.msk $0xffff, v3  }
0x56: {  	[tilespmem:s29+$0x2120] =	vst.add.f32.msk $0xffff, v3  }
0x57: {  	[tilespmem:s29+$0x130] =	vst.add.f32.msk $0xffff, v4  }
0x58: {  	[tilespmem:s29+$0x2130] =	vst.add.f32.msk $0xffff, v4  }
0x59: {  	[tilespmem:s29+$0x140] =	vst.add.f32.msk $0xffff, v5  }
0x5a: {  	[tilespmem:s29+$0x2140] =	vst.add.f32.msk $0xffff, v5  }
0x5b: {  	[tilespmem:s29+$0x150] =	vst.add.f32.msk $0xffff, v6  }
0x5c: {  	[tilespmem:s29+$0x2150] =	vst.add.f32.msk $0xffff, v6  }
0x5d: {  	[tilespmem:s29+$0x160] =	vst.add.f32.msk $0xffff, v7  }
0x5e: {  	[tilespmem:s29+$0x2160] =	vst.add.f32.msk $0xffff, v7  }
0x5f: {  	[tilespmem:s29+$0x170] =	vst.add.f32.msk $0xffff, v0;
	s29 =	simm.s32 $0x0  }
0x60: {  	[hbm4b:s9+s29] =	stream.linear.scatter [tilespmem:s19], [sflag:$0x5], $0x2000, $0x38;
	[tilespmem:$0xA100] =	vst v63  }
0x61: {  	_ = 	snop  }
0x62: {  	[hbm4b:s10+s29] =	stream.linear.scatter [tilespmem:s23], [sflag:$0x5], $0x2000, $0x38;
	[tilespmem:$0xA100] =	vst v63  }
0x63: {  	_ =	swait.ge [sflag:s24], $0x4000  }
0x64: {  	[sflag:s24] =	ssyncset.done $0x0  }
0x65: {  	s30 =	simm.s32 $0x200;
	s29 =	simm.s32 $0x0;
	[sflag:s24] =	ssyncadd.s32 $0xFFFFC000  }
.LBB2_4:
0x66: {  	p0 =	sne.s32 s30, $0x7E00;
	v0 =	vld [tilespmem:s29+$0x8170]  }
0x67: {  	v1 =	vld [tilespmem:s29+$0x8100]  }
0x68: {  	v2 =	vld [tilespmem:s29+$0x8110]  }
0x69: {  	v3 =	vld [tilespmem:s29+$0x8120]  }
0x6a: {  	v4 =	vld [tilespmem:s29+$0x8130]  }
0x6b: {  	[tilespmem:s29+$0x6170] =	vst.add.f32.msk $0xffff, v0  }
0x6c: {  	v5 =	vld [tilespmem:s29+$0x8140]  }
0x6d: {  	v6 =	vld [tilespmem:s29+$0x8150]  }
0x6e: {  	v7 =	vld [tilespmem:s29+$0x8160]  }
0x6f: {  	[tilespmem:s29+$0x4100] =	vst.add.f32.msk $0xffff, v1  }
0x70: {  	[tilespmem:s29+$0x6100] =	vst.add.f32.msk $0xffff, v1  }
0x71: {  	[tilespmem:s29+$0x4110] =	vst.add.f32.msk $0xffff, v2  }
0x72: {  	[tilespmem:s29+$0x6110] =	vst.add.f32.msk $0xffff, v2  }
0x73: {  	[tilespmem:s29+$0x4120] =	vst.add.f32.msk $0xffff, v3  }
0x74: {  	[tilespmem:s29+$0x6120] =	vst.add.f32.msk $0xffff, v3  }
0x75: {  	[tilespmem:s29+$0x4130] =	vst.add.f32.msk $0xffff, v4  }
0x76: {  	[tilespmem:s29+$0x6130] =	vst.add.f32.msk $0xffff, v4  }
0x77: {  	[tilespmem:s29+$0x4140] =	vst.add.f32.msk $0xffff, v5  }
0x78: {  	[tilespmem:s29+$0x6140] =	vst.add.f32.msk $0xffff, v5  }
.Ltmp1:
0x79: {  	[tilespmem:s29+$0x4150] =	vst.add.f32.msk $0xffff, v6;
	(pc) =	sbr.rel @p0 .LBB2_4-.Ltmp1, $4  }
0x7a: {  	[tilespmem:s29+$0x6150] =	vst.add.f32.msk $0xffff, v6  }
0x7b: {  	[tilespmem:s29+$0x4160] =	vst.add.f32.msk $0xffff, v7  }
0x7c: {  	[tilespmem:s29+$0x6160] =	vst.add.f32.msk $0xffff, v7  }
0x7d: {  	[tilespmem:s29+$0x4170] =	vst.add.f32.msk $0xffff, v0;
	s29 =	sshra.s32 s30, $0x2;
	s30 =	sadd.s32 $0x200, s30  }
0x7e: {  	v0 =	vld [tilespmem:s29+$0x8170]  }
0x7f: {  	v1 =	vld [tilespmem:s29+$0x8100]  }
0x80: {  	v2 =	vld [tilespmem:s29+$0x8110]  }
0x81: {  	v3 =	vld [tilespmem:s29+$0x8120]  }
0x82: {  	v4 =	vld [tilespmem:s29+$0x8130]  }
0x83: {  	v5 =	vld [tilespmem:s29+$0x8140]  }
0x84: {  	v6 =	vld [tilespmem:s29+$0x8150]  }
0x85: {  	v7 =	vld [tilespmem:s29+$0x8160]  }
0x86: {  	[tilespmem:s29+$0x6170] =	vst.add.f32.msk $0xffff, v0  }
0x87: {  	[tilespmem:s29+$0x4100] =	vst.add.f32.msk $0xffff, v1  }
0x88: {  	[tilespmem:s29+$0x6100] =	vst.add.f32.msk $0xffff, v1  }
0x89: {  	[tilespmem:s29+$0x4110] =	vst.add.f32.msk $0xffff, v2  }
0x8a: {  	[tilespmem:s29+$0x6110] =	vst.add.f32.msk $0xffff, v2  }
0x8b: {  	[tilespmem:s29+$0x4120] =	vst.add.f32.msk $0xffff, v3  }
0x8c: {  	[tilespmem:s29+$0x6120] =	vst.add.f32.msk $0xffff, v3  }
0x8d: {  	[tilespmem:s29+$0x4130] =	vst.add.f32.msk $0xffff, v4  }
0x8e: {  	[tilespmem:s29+$0x6130] =	vst.add.f32.msk $0xffff, v4  }
0x8f: {  	[tilespmem:s29+$0x4140] =	vst.add.f32.msk $0xffff, v5  }
0x90: {  	[tilespmem:s29+$0x6140] =	vst.add.f32.msk $0xffff, v5  }
0x91: {  	[tilespmem:s29+$0x4150] =	vst.add.f32.msk $0xffff, v6  }
0x92: {  	[tilespmem:s29+$0x6150] =	vst.add.f32.msk $0xffff, v6  }
0x93: {  	[tilespmem:s29+$0x4160] =	vst.add.f32.msk $0xffff, v7  }
0x94: {  	[tilespmem:s29+$0x6160] =	vst.add.f32.msk $0xffff, v7  }
0x95: {  	[tilespmem:s29+$0x4170] =	vst.add.f32.msk $0xffff, v0  }
0x96: {  	[hbm4b:s11+s3] =	stream.linear.scatter [tilespmem:s20], [sflag:$0x5], $0x2000, $0x38;
	[tilespmem:$0xA100] =	vst v63  }
0x97: {  	_ = 	snop  }
0x98: {  	[hbm4b:s12+s3] =	stream.linear.scatter [tilespmem:s25], [sflag:$0x5], $0x2000, $0x38;
	[tilespmem:$0xA100] =	vst v63  }
0x99: {  	_ =	swait.ge [sflag:s26], $0x2000  }
0x9a: {  	[sflag:s26] =	ssyncset.done $0x0  }
0x9b: {  	[sflag:s26] =	ssyncadd.s32 $0xFFFFE000  }
0x9c: {  	_ =	swait.ge [sflag:s26], $0x2000  }
0x9d: {  	[sflag:s26] =	ssyncset.done $0x0  }
0x9e: {  	s28 =	sadd.s32 $0x1, s28;
	[sflag:s26] =	ssyncadd.s32 $0xFFFFE000  }
0x9f: {  	p0 =	sne.s32 s28, s13;
	_ =	swait.ge [sflag:s26], $0x2000  }
.Ltmp2:
0xa0: {  	[sflag:s26] =	ssyncset.done $0x0;
	(pc) =	sbr.rel @p0 .LBB2_1-.Ltmp2, $4  }
0xa1: {  	[sflag:s26] =	ssyncadd.s32 $0xFFFFE000  }
0xa2: {  	_ =	swait.ge [sflag:s26], $0x2000  }
0xa3: {  	[sflag:s26] =	ssyncset.done $0x0  }
0xa4: {  	[sflag:s26] =	ssyncadd.s32 $0xFFFFE000  }
0xa5: {  	_ =	sfence.sel $0x180000  }
0xa6: {  	[bflag:$0x0] =	sbarrier.arrive $0xFFFF  }
0xa7: {  	p0 =	sne.s32 s0, $0x0;
	_ =	strace $0x90000047  }
0xa8: {  	s0 =	sadd.s32 @!p0 $0x100000, s2;
	[bflag:$0x2] =	sbarrier.arrive $0xFFFF  }
0xa9: {  	[sflag:s0] =	ssyncadd.tile.s32 @!p0 $0x1;
	_ =	shalt  }
.Lfunc_end2:
_tile_overlayer_lowered:
.L_overlay_start_2:
0xaa: {  	(tag) =	ssettag $0x2  }
0xab: {  	s0 =	rddreg [dreg:$0x0];
	s2 =	stileid.u32  }
0xac: {  	s1 =	rddreg [dreg:$0x1];
	p0 =	sne.s32 s2, $0x0  }
0xad: {  	s3 =	rddreg [dreg:$0x2];
	[bflag:$0x3] =	sbarrier.arrive $0xFFFF;
	s2 =	simm.s32 @!p0 $0x1C06  }
0xae: {  	[timem:s3], [sflag:s2] =	dma.local @!p0 [hbm:s0], s1  }
0xaf: {  	s0 =	simm.s32 @!p0 $0x6  }
0xb0: {  	_ =	swait.ge @!p0 [sflag:s0], s1  }
0xb1: {  	s1 =	ssub.s32 @!p0 $0x0, s1;
	[sflag:s0] =	ssyncset.done @!p0 $0x0  }
0xb2: {  	[sflag:s0] =	ssyncadd.s32 @!p0 s1  }
0xb3: {  	[bflag:$0x3] =	sbarrier.arrive $0xFFFF  }
0xb4: {  	_ =	shalt  }

</sc_bundles>
